<compile_context>
chip_gen: v7x
topology: tpu7x:2x2x1
jax: 0.10.2.dev20260603
libtpu: 0.0.44.dev20260713+nightly
codegen_flags: <defaults>
</compile_context>

<pallas_src>
import functools

import jax
import jax.numpy as jnp
from jax import lax
from jax.experimental import pallas as pl
from jax.experimental.pallas import tpu as pltpu
from jax.experimental.pallas import tpu_sc as plsc

NUM_NODES = 100000
HIDDEN = 128

NC = 2
NS = 16
NW = NC * NS

SPAN = 3128
LAST_BASE = NUM_NODES - SPAN
NB = 4
CHUNK = 248
NCHUNK = 13
TAIL = SPAN - (NCHUNK - 1) * CHUNK


@functools.partial(
    pl.kernel,
    out_type=jax.ShapeDtypeStruct((NUM_NODES, HIDDEN), jnp.float32),
    mesh=plsc.VectorSubcoreMesh(core_axis_name="c", subcore_axis_name="s",
                                num_cores=NC, num_subcores=NS),
    scratch_types=[
        pltpu.VMEM((SPAN,), jnp.int32),
    ]
    + [pltpu.VMEM((CHUNK, HIDDEN), jnp.float32) for _ in range(NB)]
    + [pltpu.SemaphoreType.DMA for _ in range(2 * NB)],
)
def _gather_kernel(table_hbm, idx_hbm, out_hbm, idx_all, *bufs_and_sems):
    rows = bufs_and_sems[:NB]
    gsems = bufs_and_sems[NB:2 * NB]
    wsems = bufs_and_sems[2 * NB:]
    wid = lax.axis_index("s") * NC + lax.axis_index("c")
    base = jnp.minimum(wid * SPAN, LAST_BASE)

    pltpu.sync_copy(idx_hbm.at[pl.ds(base, SPAN)], idx_all)

    def pieces(j):
        b = j % NB
        n = CHUNK if j < NCHUNK - 1 else TAIL
        idx_v = idx_all.at[pl.ds(j * CHUNK, n)]
        rows_v = rows[b] if n == CHUNK else rows[b].at[pl.ds(0, n)]
        return idx_v, rows_v, n, b

    def start_gather(j):
        idx_v, rows_v, _, b = pieces(j)
        pltpu.async_copy(table_hbm.at[idx_v], rows_v, gsems[b])

    for j in range(3):
        start_gather(j)
    for j in range(NCHUNK):
        idx_v, rows_v, n, b = pieces(j)
        pltpu.make_async_copy(table_hbm.at[idx_v], rows_v, gsems[b]).wait()
        out_slice = out_hbm.at[pl.ds(base + j * CHUNK, n)]
        pltpu.async_copy(rows_v, out_slice, wsems[b])
        nj = j + 3
        if nj < NCHUNK:
            pidx_v, prows_v, pn, pb = pieces(nj - NB)
            pout = out_hbm.at[pl.ds(base + (nj - NB) * CHUNK, pn)]
            if nj >= NB:
                pltpu.make_async_copy(prows_v, pout, wsems[pb]).wait()
            start_gather(nj)
    for j in range(NCHUNK - NB, NCHUNK):
        _, rows_v, n, b = pieces(j)
        out_slice = out_hbm.at[pl.ds(base + j * CHUNK, n)]
        pltpu.make_async_copy(rows_v, out_slice, wsems[b]).wait()


def kernel(x, node_emb):
    return _gather_kernel(node_emb, x)

# --- scband reference (transcript-rebuilt; emitter-appended) ---
"""Pipeline reference for scband-node-embedding-wrapper-65128884077114 (READ-ONLY COPY).

The authoritative reference and input builder live on the scoring server;
editing this copy changes nothing except your own understanding.
"""

import jax, jax.numpy as jnp
import numpy as np

NUM_NODES = 100000
HIDDEN = 128

def setup_inputs(seed: int = 0) -> dict:
    key = jax.random.key(seed)
    # benchmark.py injects integer node IDs via torch.arange()
    x = jnp.arange(NUM_NODES, dtype=jnp.int32)
    # learned parameter: nn.Embedding(num_nodes, hidden_channels).weight
    node_emb = jax.random.normal(jax.random.fold_in(key, 1), (NUM_NODES, HIDDEN), dtype=jnp.float32) * 0.02
    return {"x": x, "node_emb": node_emb}

def reference(x, node_emb):
    # x is integer dtype -> wrapper routes it through the embedding table
    h = jnp.take(node_emb, x, axis=0)
    # x.squeeze() in the original; no-op for [N, H]
    h = jnp.squeeze(h)
    # gnn_model is treated as identity (wrapper itself only adds the lookup)
    return h

if __name__ == "__main__":
    import jax
    _d = setup_inputs()
    print(jax.jit(kernel)(*tuple(_d.values())))

</pallas_src>

<mosaic_0001>
#map = affine_map<(d0, d1) -> (0, 0)>
#map1 = affine_map<(d0, d1) -> (0)>
module attributes {stable_mosaic.version = 14 : i64} {
  func.func @_gather_kernel(%arg0: i32, %arg1: i32, %arg2: memref<100000x128xf32, #tpu.memory_space<hbm>>, %arg3: memref<100000xi32, #tpu.memory_space<hbm>>, %arg4: memref<100000x128xf32, #tpu.memory_space<hbm>>, %arg5: memref<3128xi32, #tpu.memory_space<vmem>>, %arg6: memref<248x128xf32, #tpu.memory_space<vmem>>, %arg7: memref<248x128xf32, #tpu.memory_space<vmem>>, %arg8: memref<248x128xf32, #tpu.memory_space<vmem>>, %arg9: memref<248x128xf32, #tpu.memory_space<vmem>>, %arg10: memref<!tpu.dma_semaphore, #tpu.memory_space<semaphore_mem>>, %arg11: memref<!tpu.dma_semaphore, #tpu.memory_space<semaphore_mem>>, %arg12: memref<!tpu.dma_semaphore, #tpu.memory_space<semaphore_mem>>, %arg13: memref<!tpu.dma_semaphore, #tpu.memory_space<semaphore_mem>>, %arg14: memref<!tpu.dma_semaphore, #tpu.memory_space<semaphore_mem>>, %arg15: memref<!tpu.dma_semaphore, #tpu.memory_space<semaphore_mem>>, %arg16: memref<!tpu.dma_semaphore, #tpu.memory_space<semaphore_mem>>, %arg17: memref<!tpu.dma_semaphore, #tpu.memory_space<semaphore_mem>>) attributes {dimension_semantics = [#tpu.dimension_semantics<core_parallel>, #tpu.dimension_semantics<subcore_parallel>], iteration_bounds = array<i64: 2, 16>, scalar_prefetch = 0 : i64, scratch_operands = 13 : i64, tpu.core_type = #tpu.core_type<sc_vector_subcore>, window_params = [{transform_indices = #map}, {transform_indices = #map1}, {transform_indices = #map}]} {
    %mul3A = arith.constant 2 : i32
    %mul3A_0 = arith.muli %arg1, %mul3A : i32
    %add3A = arith.addi %mul3A_0, %arg0 : i32
    %mul3A_1 = arith.constant 3128 : i32
    %mul3A_2 = arith.muli %add3A, %mul3A_1 : i32
    %min3A = arith.constant 96872 : i32
    %min3A_3 = arith.minsi %mul3A_2, %min3A : i32
    "tpu.region"() ({
      %run_scoped3A = tpu.sem_alloc : memref<!tpu.dma_semaphore, #tpu.memory_space<semaphore_mem>>
      %dma_start3A_308 = tpu.memref_slice %arg3[%min3A_3] : memref<100000xi32, #tpu.memory_space<hbm>> -> memref<3128xi32, #tpu.memory_space<hbm>>
      %dma_start3A_309 = tpu.memref_slice %arg3[%min3A_3] : memref<100000xi32, #tpu.memory_space<hbm>> -> memref<3128xi32, #tpu.memory_space<hbm>>
      tpu.enqueue_dma source(%dma_start3A_309 : memref<3128xi32, #tpu.memory_space<hbm>>) target(%arg5 : memref<3128xi32, #tpu.memory_space<vmem>>) target_semaphore(%run_scoped3A : memref<!tpu.dma_semaphore, #tpu.memory_space<semaphore_mem>>)
      %dma_wait3A_310 = tpu.memref_slice %arg3[%min3A_3] : memref<100000xi32, #tpu.memory_space<hbm>> -> memref<3128xi32, #tpu.memory_space<hbm>>
      %dma_wait3A_311 = tpu.memref_slice %arg3[%min3A_3] : memref<100000xi32, #tpu.memory_space<hbm>> -> memref<3128xi32, #tpu.memory_space<hbm>>
      tpu.wait_dma2 semaphore(%run_scoped3A : memref<!tpu.dma_semaphore, #tpu.memory_space<semaphore_mem>>) src(%dma_wait3A_311 : memref<3128xi32, #tpu.memory_space<hbm>>) dst(%arg5 : memref<3128xi32, #tpu.memory_space<vmem>>)
      tpu.yield
    }) : () -> ()
    %dma_start3A = arith.constant 0 : i32
    %dma_start3A_4 = tpu.memref_slice %arg5[%dma_start3A] : memref<3128xi32, #tpu.memory_space<vmem>> -> memref<248xi32, #tpu.memory_space<vmem>>
    %dma_start3A_5 = arith.constant 0 : i32
    %dma_start3A_6 = arith.constant 0 : i32
    %dma_start3A_7 = tpu.memref_slice %arg2[%dma_start3A_5, %dma_start3A_6] : memref<100000x128xf32, #tpu.memory_space<hbm>> -> memref<100000x128xf32, #tpu.memory_space<hbm>>
    tpu.enqueue_indirect_dma source(%dma_start3A_7 : memref<100000x128xf32, #tpu.memory_space<hbm>>) target(%arg6 : memref<248x128xf32, #tpu.memory_space<vmem>>) offsets(%dma_start3A_4 : memref<248xi32, #tpu.memory_space<vmem>>) semaphore(%arg10 : memref<!tpu.dma_semaphore, #tpu.memory_space<semaphore_mem>>)
    %dma_start3A_8 = arith.constant 248 : i32
    %dma_start3A_9 = tpu.memref_slice %arg5[%dma_start3A_8] : memref<3128xi32, #tpu.memory_space<vmem>> -> memref<248xi32, #tpu.memory_space<vmem>>
    %dma_start3A_10 = arith.constant 0 : i32
    %dma_start3A_11 = arith.constant 0 : i32
    %dma_start3A_12 = tpu.memref_slice %arg2[%dma_start3A_10, %dma_start3A_11] : memref<100000x128xf32, #tpu.memory_space<hbm>> -> memref<100000x128xf32, #tpu.memory_space<hbm>>
    tpu.enqueue_indirect_dma source(%dma_start3A_12 : memref<100000x128xf32, #tpu.memory_space<hbm>>) target(%arg7 : memref<248x128xf32, #tpu.memory_space<vmem>>) offsets(%dma_start3A_9 : memref<248xi32, #tpu.memory_space<vmem>>) semaphore(%arg11 : memref<!tpu.dma_semaphore, #tpu.memory_space<semaphore_mem>>)
    %dma_start3A_13 = arith.constant 496 : i32
    %dma_start3A_14 = tpu.memref_slice %arg5[%dma_start3A_13] : memref<3128xi32, #tpu.memory_space<vmem>> -> memref<248xi32, #tpu.memory_space<vmem>>
    %dma_start3A_15 = arith.constant 0 : i32
    %dma_start3A_16 = arith.constant 0 : i32
    %dma_start3A_17 = tpu.memref_slice %arg2[%dma_start3A_15, %dma_start3A_16] : memref<100000x128xf32, #tpu.memory_space<hbm>> -> memref<100000x128xf32, #tpu.memory_space<hbm>>
    tpu.enqueue_indirect_dma source(%dma_start3A_17 : memref<100000x128xf32, #tpu.memory_space<hbm>>) target(%arg8 : memref<248x128xf32, #tpu.memory_space<vmem>>) offsets(%dma_start3A_14 : memref<248xi32, #tpu.memory_space<vmem>>) semaphore(%arg12 : memref<!tpu.dma_semaphore, #tpu.memory_space<semaphore_mem>>)
    %dma_wait3A = arith.constant 0 : i32
    %dma_wait3A_18 = tpu.memref_slice %arg5[%dma_wait3A] : memref<3128xi32, #tpu.memory_space<vmem>> -> memref<248xi32, #tpu.memory_space<vmem>>
    %dma_wait3A_19 = arith.constant 0 : i32
    %dma_wait3A_20 = arith.constant 0 : i32
    %dma_wait3A_21 = tpu.memref_slice %arg2[%dma_wait3A_19, %dma_wait3A_20] : memref<100000x128xf32, #tpu.memory_space<hbm>> -> memref<100000x128xf32, #tpu.memory_space<hbm>>
    tpu.wait_indirect_dma semaphore(%arg10 : memref<!tpu.dma_semaphore, #tpu.memory_space<semaphore_mem>>) src(%dma_wait3A_21 : memref<100000x128xf32, #tpu.memory_space<hbm>>) dst(%arg6 : memref<248x128xf32, #tpu.memory_space<vmem>>)
    %add3A_22 = arith.constant 0 : i32
    %add3A_23 = arith.addi %min3A_3, %add3A_22 : i32
    %dma_start3A_24 = arith.constant 0 : i32
    %dma_start3A_25 = tpu.memref_slice %arg4[%add3A_23, %dma_start3A_24] : memref<100000x128xf32, #tpu.memory_space<hbm>> -> memref<248x128xf32, #tpu.memory_space<hbm>>
    %dma_start3A_26 = arith.constant 0 : i32
    %dma_start3A_27 = tpu.memref_slice %arg4[%add3A_23, %dma_start3A_26] : memref<100000x128xf32, #tpu.memory_space<hbm>> -> memref<248x128xf32, #tpu.memory_space<hbm>>
    tpu.enqueue_dma source(%arg6 : memref<248x128xf32, #tpu.memory_space<vmem>>) target(%dma_start3A_27 : memref<248x128xf32, #tpu.memory_space<hbm>>) target_semaphore(%arg14 : memref<!tpu.dma_semaphore, #tpu.memory_space<semaphore_mem>>)
    %add3A_28 = arith.constant -248 : i32
    %add3A_29 = arith.addi %min3A_3, %add3A_28 : i32
    %dma_start3A_30 = arith.constant 744 : i32
    %dma_start3A_31 = tpu.memref_slice %arg5[%dma_start3A_30] : memref<3128xi32, #tpu.memory_space<vmem>> -> memref<248xi32, #tpu.memory_space<vmem>>
    %dma_start3A_32 = arith.constant 0 : i32
    %dma_start3A_33 = arith.constant 0 : i32
    %dma_start3A_34 = tpu.memref_slice %arg2[%dma_start3A_32, %dma_start3A_33] : memref<100000x128xf32, #tpu.memory_space<hbm>> -> memref<100000x128xf32, #tpu.memory_space<hbm>>
    tpu.enqueue_indirect_dma source(%dma_start3A_34 : memref<100000x128xf32, #tpu.memory_space<hbm>>) target(%arg9 : memref<248x128xf32, #tpu.memory_space<vmem>>) offsets(%dma_start3A_31 : memref<248xi32, #tpu.memory_space<vmem>>) semaphore(%arg13 : memref<!tpu.dma_semaphore, #tpu.memory_space<semaphore_mem>>)
    %dma_wait3A_35 = arith.constant 248 : i32
    %dma_wait3A_36 = tpu.memref_slice %arg5[%dma_wait3A_35] : memref<3128xi32, #tpu.memory_space<vmem>> -> memref<248xi32, #tpu.memory_space<vmem>>
    %dma_wait3A_37 = arith.constant 0 : i32
    %dma_wait3A_38 = arith.constant 0 : i32
    %dma_wait3A_39 = tpu.memref_slice %arg2[%dma_wait3A_37, %dma_wait3A_38] : memref<100000x128xf32, #tpu.memory_space<hbm>> -> memref<100000x128xf32, #tpu.memory_space<hbm>>
    tpu.wait_indirect_dma semaphore(%arg11 : memref<!tpu.dma_semaphore, #tpu.memory_space<semaphore_mem>>) src(%dma_wait3A_39 : memref<100000x128xf32, #tpu.memory_space<hbm>>) dst(%arg7 : memref<248x128xf32, #tpu.memory_space<vmem>>)
    %add3A_40 = arith.constant 248 : i32
    %add3A_41 = arith.addi %min3A_3, %add3A_40 : i32
    %dma_start3A_42 = arith.constant 0 : i32
    %dma_start3A_43 = tpu.memref_slice %arg4[%add3A_41, %dma_start3A_42] : memref<100000x128xf32, #tpu.memory_space<hbm>> -> memref<248x128xf32, #tpu.memory_space<hbm>>
    %dma_start3A_44 = arith.constant 0 : i32
    %dma_start3A_45 = tpu.memref_slice %arg4[%add3A_41, %dma_start3A_44] : memref<100000x128xf32, #tpu.memory_space<hbm>> -> memref<248x128xf32, #tpu.memory_space<hbm>>
    tpu.enqueue_dma source(%arg7 : memref<248x128xf32, #tpu.memory_space<vmem>>) target(%dma_start3A_45 : memref<248x128xf32, #tpu.memory_space<hbm>>) target_semaphore(%arg15 : memref<!tpu.dma_semaphore, #tpu.memory_space<semaphore_mem>>)
    %add3A_46 = arith.constant 0 : i32
    %add3A_47 = arith.addi %min3A_3, %add3A_46 : i32
    %dma_wait3A_48 = arith.constant 0 : i32
    %dma_wait3A_49 = tpu.memref_slice %arg4[%add3A_47, %dma_wait3A_48] : memref<100000x128xf32, #tpu.memory_space<hbm>> -> memref<248x128xf32, #tpu.memory_space<hbm>>
    %dma_wait3A_50 = arith.constant 0 : i32
    %dma_wait3A_51 = tpu.memref_slice %arg4[%add3A_47, %dma_wait3A_50] : memref<100000x128xf32, #tpu.memory_space<hbm>> -> memref<248x128xf32, #tpu.memory_space<hbm>>
    tpu.wait_dma2 semaphore(%arg14 : memref<!tpu.dma_semaphore, #tpu.memory_space<semaphore_mem>>) src(%arg6 : memref<248x128xf32, #tpu.memory_space<vmem>>) dst(%dma_wait3A_51 : memref<248x128xf32, #tpu.memory_space<hbm>>)
    %dma_start3A_52 = arith.constant 992 : i32
    %dma_start3A_53 = tpu.memref_slice %arg5[%dma_start3A_52] : memref<3128xi32, #tpu.memory_space<vmem>> -> memref<248xi32, #tpu.memory_space<vmem>>
    %dma_start3A_54 = arith.constant 0 : i32
    %dma_start3A_55 = arith.constant 0 : i32
    %dma_start3A_56 = tpu.memref_slice %arg2[%dma_start3A_54, %dma_start3A_55] : memref<100000x128xf32, #tpu.memory_space<hbm>> -> memref<100000x128xf32, #tpu.memory_space<hbm>>
    tpu.enqueue_indirect_dma source(%dma_start3A_56 : memref<100000x128xf32, #tpu.memory_space<hbm>>) target(%arg6 : memref<248x128xf32, #tpu.memory_space<vmem>>) offsets(%dma_start3A_53 : memref<248xi32, #tpu.memory_space<vmem>>) semaphore(%arg10 : memref<!tpu.dma_semaphore, #tpu.memory_space<semaphore_mem>>)
    %dma_wait3A_57 = arith.constant 496 : i32
    %dma_wait3A_58 = tpu.memref_slice %arg5[%dma_wait3A_57] : memref<3128xi32, #tpu.memory_space<vmem>> -> memref<248xi32, #tpu.memory_space<vmem>>
    %dma_wait3A_59 = arith.constant 0 : i32
    %dma_wait3A_60 = arith.constant 0 : i32
    %dma_wait3A_61 = tpu.memref_slice %arg2[%dma_wait3A_59, %dma_wait3A_60] : memref<100000x128xf32, #tpu.memory_space<hbm>> -> memref<100000x128xf32, #tpu.memory_space<hbm>>
    tpu.wait_indirect_dma semaphore(%arg12 : memref<!tpu.dma_semaphore, #tpu.memory_space<semaphore_mem>>) src(%dma_wait3A_61 : memref<100000x128xf32, #tpu.memory_space<hbm>>) dst(%arg8 : memref<248x128xf32, #tpu.memory_space<vmem>>)
    %add3A_62 = arith.constant 496 : i32
    %add3A_63 = arith.addi %min3A_3, %add3A_62 : i32
    %dma_start3A_64 = arith.constant 0 : i32
    %dma_start3A_65 = tpu.memref_slice %arg4[%add3A_63, %dma_start3A_64] : memref<100000x128xf32, #tpu.memory_space<hbm>> -> memref<248x128xf32, #tpu.memory_space<hbm>>
    %dma_start3A_66 = arith.constant 0 : i32
    %dma_start3A_67 = tpu.memref_slice %arg4[%add3A_63, %dma_start3A_66] : memref<100000x128xf32, #tpu.memory_space<hbm>> -> memref<248x128xf32, #tpu.memory_space<hbm>>
    tpu.enqueue_dma source(%arg8 : memref<248x128xf32, #tpu.memory_space<vmem>>) target(%dma_start3A_67 : memref<248x128xf32, #tpu.memory_space<hbm>>) target_semaphore(%arg16 : memref<!tpu.dma_semaphore, #tpu.memory_space<semaphore_mem>>)
    %add3A_68 = arith.constant 248 : i32
    %add3A_69 = arith.addi %min3A_3, %add3A_68 : i32
    %dma_wait3A_70 = arith.constant 0 : i32
    %dma_wait3A_71 = tpu.memref_slice %arg4[%add3A_69, %dma_wait3A_70] : memref<100000x128xf32, #tpu.memory_space<hbm>> -> memref<248x128xf32, #tpu.memory_space<hbm>>
    %dma_wait3A_72 = arith.constant 0 : i32
    %dma_wait3A_73 = tpu.memref_slice %arg4[%add3A_69, %dma_wait3A_72] : memref<100000x128xf32, #tpu.memory_space<hbm>> -> memref<248x128xf32, #tpu.memory_space<hbm>>
    tpu.wait_dma2 semaphore(%arg15 : memref<!tpu.dma_semaphore, #tpu.memory_space<semaphore_mem>>) src(%arg7 : memref<248x128xf32, #tpu.memory_space<vmem>>) dst(%dma_wait3A_73 : memref<248x128xf32, #tpu.memory_space<hbm>>)
    %dma_start3A_74 = arith.constant 1240 : i32
    %dma_start3A_75 = tpu.memref_slice %arg5[%dma_start3A_74] : memref<3128xi32, #tpu.memory_space<vmem>> -> memref<248xi32, #tpu.memory_space<vmem>>
    %dma_start3A_76 = arith.constant 0 : i32
    %dma_start3A_77 = arith.constant 0 : i32
    %dma_start3A_78 = tpu.memref_slice %arg2[%dma_start3A_76, %dma_start3A_77] : memref<100000x128xf32, #tpu.memory_space<hbm>> -> memref<100000x128xf32, #tpu.memory_space<hbm>>
    tpu.enqueue_indirect_dma source(%dma_start3A_78 : memref<100000x128xf32, #tpu.memory_space<hbm>>) target(%arg7 : memref<248x128xf32, #tpu.memory_space<vmem>>) offsets(%dma_start3A_75 : memref<248xi32, #tpu.memory_space<vmem>>) semaphore(%arg11 : memref<!tpu.dma_semaphore, #tpu.memory_space<semaphore_mem>>)
    %dma_wait3A_79 = arith.constant 744 : i32
    %dma_wait3A_80 = tpu.memref_slice %arg5[%dma_wait3A_79] : memref<3128xi32, #tpu.memory_space<vmem>> -> memref<248xi32, #tpu.memory_space<vmem>>
    %dma_wait3A_81 = arith.constant 0 : i32
    %dma_wait3A_82 = arith.constant 0 : i32
    %dma_wait3A_83 = tpu.memref_slice %arg2[%dma_wait3A_81, %dma_wait3A_82] : memref<100000x128xf32, #tpu.memory_space<hbm>> -> memref<100000x128xf32, #tpu.memory_space<hbm>>
    tpu.wait_indirect_dma semaphore(%arg13 : memref<!tpu.dma_semaphore, #tpu.memory_space<semaphore_mem>>) src(%dma_wait3A_83 : memref<100000x128xf32, #tpu.memory_space<hbm>>) dst(%arg9 : memref<248x128xf32, #tpu.memory_space<vmem>>)
    %add3A_84 = arith.constant 744 : i32
    %add3A_85 = arith.addi %min3A_3, %add3A_84 : i32
    %dma_start3A_86 = arith.constant 0 : i32
    %dma_start3A_87 = tpu.memref_slice %arg4[%add3A_85, %dma_start3A_86] : memref<100000x128xf32, #tpu.memory_space<hbm>> -> memref<248x128xf32, #tpu.memory_space<hbm>>
    %dma_start3A_88 = arith.constant 0 : i32
    %dma_start3A_89 = tpu.memref_slice %arg4[%add3A_85, %dma_start3A_88] : memref<100000x128xf32, #tpu.memory_space<hbm>> -> memref<248x128xf32, #tpu.memory_space<hbm>>
    tpu.enqueue_dma source(%arg9 : memref<248x128xf32, #tpu.memory_space<vmem>>) target(%dma_start3A_89 : memref<248x128xf32, #tpu.memory_space<hbm>>) target_semaphore(%arg17 : memref<!tpu.dma_semaphore, #tpu.memory_space<semaphore_mem>>)
    %add3A_90 = arith.constant 496 : i32
    %add3A_91 = arith.addi %min3A_3, %add3A_90 : i32
    %dma_wait3A_92 = arith.constant 0 : i32
    %dma_wait3A_93 = tpu.memref_slice %arg4[%add3A_91, %dma_wait3A_92] : memref<100000x128xf32, #tpu.memory_space<hbm>> -> memref<248x128xf32, #tpu.memory_space<hbm>>
    %dma_wait3A_94 = arith.constant 0 : i32
    %dma_wait3A_95 = tpu.memref_slice %arg4[%add3A_91, %dma_wait3A_94] : memref<100000x128xf32, #tpu.memory_space<hbm>> -> memref<248x128xf32, #tpu.memory_space<hbm>>
    tpu.wait_dma2 semaphore(%arg16 : memref<!tpu.dma_semaphore, #tpu.memory_space<semaphore_mem>>) src(%arg8 : memref<248x128xf32, #tpu.memory_space<vmem>>) dst(%dma_wait3A_95 : memref<248x128xf32, #tpu.memory_space<hbm>>)
    %dma_start3A_96 = arith.constant 1488 : i32
    %dma_start3A_97 = tpu.memref_slice %arg5[%dma_start3A_96] : memref<3128xi32, #tpu.memory_space<vmem>> -> memref<248xi32, #tpu.memory_space<vmem>>
    %dma_start3A_98 = arith.constant 0 : i32
    %dma_start3A_99 = arith.constant 0 : i32
    %dma_start3A_100 = tpu.memref_slice %arg2[%dma_start3A_98, %dma_start3A_99] : memref<100000x128xf32, #tpu.memory_space<hbm>> -> memref<100000x128xf32, #tpu.memory_space<hbm>>
    tpu.enqueue_indirect_dma source(%dma_start3A_100 : memref<100000x128xf32, #tpu.memory_space<hbm>>) target(%arg8 : memref<248x128xf32, #tpu.memory_space<vmem>>) offsets(%dma_start3A_97 : memref<248xi32, #tpu.memory_space<vmem>>) semaphore(%arg12 : memref<!tpu.dma_semaphore, #tpu.memory_space<semaphore_mem>>)
    %dma_wait3A_101 = arith.constant 992 : i32
    %dma_wait3A_102 = tpu.memref_slice %arg5[%dma_wait3A_101] : memref<3128xi32, #tpu.memory_space<vmem>> -> memref<248xi32, #tpu.memory_space<vmem>>
    %dma_wait3A_103 = arith.constant 0 : i32
    %dma_wait3A_104 = arith.constant 0 : i32
    %dma_wait3A_105 = tpu.memref_slice %arg2[%dma_wait3A_103, %dma_wait3A_104] : memref<100000x128xf32, #tpu.memory_space<hbm>> -> memref<100000x128xf32, #tpu.memory_space<hbm>>
    tpu.wait_indirect_dma semaphore(%arg10 : memref<!tpu.dma_semaphore, #tpu.memory_space<semaphore_mem>>) src(%dma_wait3A_105 : memref<100000x128xf32, #tpu.memory_space<hbm>>) dst(%arg6 : memref<248x128xf32, #tpu.memory_space<vmem>>)
    %add3A_106 = arith.constant 992 : i32
    %add3A_107 = arith.addi %min3A_3, %add3A_106 : i32
    %dma_start3A_108 = arith.constant 0 : i32
    %dma_start3A_109 = tpu.memref_slice %arg4[%add3A_107, %dma_start3A_108] : memref<100000x128xf32, #tpu.memory_space<hbm>> -> memref<248x128xf32, #tpu.memory_space<hbm>>
    %dma_start3A_110 = arith.constant 0 : i32
    %dma_start3A_111 = tpu.memref_slice %arg4[%add3A_107, %dma_start3A_110] : memref<100000x128xf32, #tpu.memory_space<hbm>> -> memref<248x128xf32, #tpu.memory_space<hbm>>
    tpu.enqueue_dma source(%arg6 : memref<248x128xf32, #tpu.memory_space<vmem>>) target(%dma_start3A_111 : memref<248x128xf32, #tpu.memory_space<hbm>>) target_semaphore(%arg14 : memref<!tpu.dma_semaphore, #tpu.memory_space<semaphore_mem>>)
    %add3A_112 = arith.constant 744 : i32
    %add3A_113 = arith.addi %min3A_3, %add3A_112 : i32
    %dma_wait3A_114 = arith.constant 0 : i32
    %dma_wait3A_115 = tpu.memref_slice %arg4[%add3A_113, %dma_wait3A_114] : memref<100000x128xf32, #tpu.memory_space<hbm>> -> memref<248x128xf32, #tpu.memory_space<hbm>>
    %dma_wait3A_116 = arith.constant 0 : i32
    %dma_wait3A_117 = tpu.memref_slice %arg4[%add3A_113, %dma_wait3A_116] : memref<100000x128xf32, #tpu.memory_space<hbm>> -> memref<248x128xf32, #tpu.memory_space<hbm>>
    tpu.wait_dma2 semaphore(%arg17 : memref<!tpu.dma_semaphore, #tpu.memory_space<semaphore_mem>>) src(%arg9 : memref<248x128xf32, #tpu.memory_space<vmem>>) dst(%dma_wait3A_117 : memref<248x128xf32, #tpu.memory_space<hbm>>)
    %dma_start3A_118 = arith.constant 1736 : i32
    %dma_start3A_119 = tpu.memref_slice %arg5[%dma_start3A_118] : memref<3128xi32, #tpu.memory_space<vmem>> -> memref<248xi32, #tpu.memory_space<vmem>>
    %dma_start3A_120 = arith.constant 0 : i32
    %dma_start3A_121 = arith.constant 0 : i32
    %dma_start3A_122 = tpu.memref_slice %arg2[%dma_start3A_120, %dma_start3A_121] : memref<100000x128xf32, #tpu.memory_space<hbm>> -> memref<100000x128xf32, #tpu.memory_space<hbm>>
    tpu.enqueue_indirect_dma source(%dma_start3A_122 : memref<100000x128xf32, #tpu.memory_space<hbm>>) target(%arg9 : memref<248x128xf32, #tpu.memory_space<vmem>>) offsets(%dma_start3A_119 : memref<248xi32, #tpu.memory_space<vmem>>) semaphore(%arg13 : memref<!tpu.dma_semaphore, #tpu.memory_space<semaphore_mem>>)
    %dma_wait3A_123 = arith.constant 1240 : i32
    %dma_wait3A_124 = tpu.memref_slice %arg5[%dma_wait3A_123] : memref<3128xi32, #tpu.memory_space<vmem>> -> memref<248xi32, #tpu.memory_space<vmem>>
    %dma_wait3A_125 = arith.constant 0 : i32
    %dma_wait3A_126 = arith.constant 0 : i32
    %dma_wait3A_127 = tpu.memref_slice %arg2[%dma_wait3A_125, %dma_wait3A_126] : memref<100000x128xf32, #tpu.memory_space<hbm>> -> memref<100000x128xf32, #tpu.memory_space<hbm>>
    tpu.wait_indirect_dma semaphore(%arg11 : memref<!tpu.dma_semaphore, #tpu.memory_space<semaphore_mem>>) src(%dma_wait3A_127 : memref<100000x128xf32, #tpu.memory_space<hbm>>) dst(%arg7 : memref<248x128xf32, #tpu.memory_space<vmem>>)
    %add3A_128 = arith.constant 1240 : i32
    %add3A_129 = arith.addi %min3A_3, %add3A_128 : i32
    %dma_start3A_130 = arith.constant 0 : i32
    %dma_start3A_131 = tpu.memref_slice %arg4[%add3A_129, %dma_start3A_130] : memref<100000x128xf32, #tpu.memory_space<hbm>> -> memref<248x128xf32, #tpu.memory_space<hbm>>
    %dma_start3A_132 = arith.constant 0 : i32
    %dma_start3A_133 = tpu.memref_slice %arg4[%add3A_129, %dma_start3A_132] : memref<100000x128xf32, #tpu.memory_space<hbm>> -> memref<248x128xf32, #tpu.memory_space<hbm>>
    tpu.enqueue_dma source(%arg7 : memref<248x128xf32, #tpu.memory_space<vmem>>) target(%dma_start3A_133 : memref<248x128xf32, #tpu.memory_space<hbm>>) target_semaphore(%arg15 : memref<!tpu.dma_semaphore, #tpu.memory_space<semaphore_mem>>)
    %add3A_134 = arith.constant 992 : i32
    %add3A_135 = arith.addi %min3A_3, %add3A_134 : i32
    %dma_wait3A_136 = arith.constant 0 : i32
    %dma_wait3A_137 = tpu.memref_slice %arg4[%add3A_135, %dma_wait3A_136] : memref<100000x128xf32, #tpu.memory_space<hbm>> -> memref<248x128xf32, #tpu.memory_space<hbm>>
    %dma_wait3A_138 = arith.constant 0 : i32
    %dma_wait3A_139 = tpu.memref_slice %arg4[%add3A_135, %dma_wait3A_138] : memref<100000x128xf32, #tpu.memory_space<hbm>> -> memref<248x128xf32, #tpu.memory_space<hbm>>
    tpu.wait_dma2 semaphore(%arg14 : memref<!tpu.dma_semaphore, #tpu.memory_space<semaphore_mem>>) src(%arg6 : memref<248x128xf32, #tpu.memory_space<vmem>>) dst(%dma_wait3A_139 : memref<248x128xf32, #tpu.memory_space<hbm>>)
    %dma_start3A_140 = arith.constant 1984 : i32
    %dma_start3A_141 = tpu.memref_slice %arg5[%dma_start3A_140] : memref<3128xi32, #tpu.memory_space<vmem>> -> memref<248xi32, #tpu.memory_space<vmem>>
    %dma_start3A_142 = arith.constant 0 : i32
    %dma_start3A_143 = arith.constant 0 : i32
    %dma_start3A_144 = tpu.memref_slice %arg2[%dma_start3A_142, %dma_start3A_143] : memref<100000x128xf32, #tpu.memory_space<hbm>> -> memref<100000x128xf32, #tpu.memory_space<hbm>>
    tpu.enqueue_indirect_dma source(%dma_start3A_144 : memref<100000x128xf32, #tpu.memory_space<hbm>>) target(%arg6 : memref<248x128xf32, #tpu.memory_space<vmem>>) offsets(%dma_start3A_141 : memref<248xi32, #tpu.memory_space<vmem>>) semaphore(%arg10 : memref<!tpu.dma_semaphore, #tpu.memory_space<semaphore_mem>>)
    %dma_wait3A_145 = arith.constant 1488 : i32
    %dma_wait3A_146 = tpu.memref_slice %arg5[%dma_wait3A_145] : memref<3128xi32, #tpu.memory_space<vmem>> -> memref<248xi32, #tpu.memory_space<vmem>>
    %dma_wait3A_147 = arith.constant 0 : i32
    %dma_wait3A_148 = arith.constant 0 : i32
    %dma_wait3A_149 = tpu.memref_slice %arg2[%dma_wait3A_147, %dma_wait3A_148] : memref<100000x128xf32, #tpu.memory_space<hbm>> -> memref<100000x128xf32, #tpu.memory_space<hbm>>
    tpu.wait_indirect_dma semaphore(%arg12 : memref<!tpu.dma_semaphore, #tpu.memory_space<semaphore_mem>>) src(%dma_wait3A_149 : memref<100000x128xf32, #tpu.memory_space<hbm>>) dst(%arg8 : memref<248x128xf32, #tpu.memory_space<vmem>>)
    %add3A_150 = arith.constant 1488 : i32
    %add3A_151 = arith.addi %min3A_3, %add3A_150 : i32
    %dma_start3A_152 = arith.constant 0 : i32
    %dma_start3A_153 = tpu.memref_slice %arg4[%add3A_151, %dma_start3A_152] : memref<100000x128xf32, #tpu.memory_space<hbm>> -> memref<248x128xf32, #tpu.memory_space<hbm>>
    %dma_start3A_154 = arith.constant 0 : i32
    %dma_start3A_155 = tpu.memref_slice %arg4[%add3A_151, %dma_start3A_154] : memref<100000x128xf32, #tpu.memory_space<hbm>> -> memref<248x128xf32, #tpu.memory_space<hbm>>
    tpu.enqueue_dma source(%arg8 : memref<248x128xf32, #tpu.memory_space<vmem>>) target(%dma_start3A_155 : memref<248x128xf32, #tpu.memory_space<hbm>>) target_semaphore(%arg16 : memref<!tpu.dma_semaphore, #tpu.memory_space<semaphore_mem>>)
    %add3A_156 = arith.constant 1240 : i32
    %add3A_157 = arith.addi %min3A_3, %add3A_156 : i32
    %dma_wait3A_158 = arith.constant 0 : i32
    %dma_wait3A_159 = tpu.memref_slice %arg4[%add3A_157, %dma_wait3A_158] : memref<100000x128xf32, #tpu.memory_space<hbm>> -> memref<248x128xf32, #tpu.memory_space<hbm>>
    %dma_wait3A_160 = arith.constant 0 : i32
    %dma_wait3A_161 = tpu.memref_slice %arg4[%add3A_157, %dma_wait3A_160] : memref<100000x128xf32, #tpu.memory_space<hbm>> -> memref<248x128xf32, #tpu.memory_space<hbm>>
    tpu.wait_dma2 semaphore(%arg15 : memref<!tpu.dma_semaphore, #tpu.memory_space<semaphore_mem>>) src(%arg7 : memref<248x128xf32, #tpu.memory_space<vmem>>) dst(%dma_wait3A_161 : memref<248x128xf32, #tpu.memory_space<hbm>>)
    %dma_start3A_162 = arith.constant 2232 : i32
    %dma_start3A_163 = tpu.memref_slice %arg5[%dma_start3A_162] : memref<3128xi32, #tpu.memory_space<vmem>> -> memref<248xi32, #tpu.memory_space<vmem>>
    %dma_start3A_164 = arith.constant 0 : i32
    %dma_start3A_165 = arith.constant 0 : i32
    %dma_start3A_166 = tpu.memref_slice %arg2[%dma_start3A_164, %dma_start3A_165] : memref<100000x128xf32, #tpu.memory_space<hbm>> -> memref<100000x128xf32, #tpu.memory_space<hbm>>
    tpu.enqueue_indirect_dma source(%dma_start3A_166 : memref<100000x128xf32, #tpu.memory_space<hbm>>) target(%arg7 : memref<248x128xf32, #tpu.memory_space<vmem>>) offsets(%dma_start3A_163 : memref<248xi32, #tpu.memory_space<vmem>>) semaphore(%arg11 : memref<!tpu.dma_semaphore, #tpu.memory_space<semaphore_mem>>)
    %dma_wait3A_167 = arith.constant 1736 : i32
    %dma_wait3A_168 = tpu.memref_slice %arg5[%dma_wait3A_167] : memref<3128xi32, #tpu.memory_space<vmem>> -> memref<248xi32, #tpu.memory_space<vmem>>
    %dma_wait3A_169 = arith.constant 0 : i32
    %dma_wait3A_170 = arith.constant 0 : i32
    %dma_wait3A_171 = tpu.memref_slice %arg2[%dma_wait3A_169, %dma_wait3A_170] : memref<100000x128xf32, #tpu.memory_space<hbm>> -> memref<100000x128xf32, #tpu.memory_space<hbm>>
    tpu.wait_indirect_dma semaphore(%arg13 : memref<!tpu.dma_semaphore, #tpu.memory_space<semaphore_mem>>) src(%dma_wait3A_171 : memref<100000x128xf32, #tpu.memory_space<hbm>>) dst(%arg9 : memref<248x128xf32, #tpu.memory_space<vmem>>)
    %add3A_172 = arith.constant 1736 : i32
    %add3A_173 = arith.addi %min3A_3, %add3A_172 : i32
    %dma_start3A_174 = arith.constant 0 : i32
    %dma_start3A_175 = tpu.memref_slice %arg4[%add3A_173, %dma_start3A_174] : memref<100000x128xf32, #tpu.memory_space<hbm>> -> memref<248x128xf32, #tpu.memory_space<hbm>>
    %dma_start3A_176 = arith.constant 0 : i32
    %dma_start3A_177 = tpu.memref_slice %arg4[%add3A_173, %dma_start3A_176] : memref<100000x128xf32, #tpu.memory_space<hbm>> -> memref<248x128xf32, #tpu.memory_space<hbm>>
    tpu.enqueue_dma source(%arg9 : memref<248x128xf32, #tpu.memory_space<vmem>>) target(%dma_start3A_177 : memref<248x128xf32, #tpu.memory_space<hbm>>) target_semaphore(%arg17 : memref<!tpu.dma_semaphore, #tpu.memory_space<semaphore_mem>>)
    %add3A_178 = arith.constant 1488 : i32
    %add3A_179 = arith.addi %min3A_3, %add3A_178 : i32
    %dma_wait3A_180 = arith.constant 0 : i32
    %dma_wait3A_181 = tpu.memref_slice %arg4[%add3A_179, %dma_wait3A_180] : memref<100000x128xf32, #tpu.memory_space<hbm>> -> memref<248x128xf32, #tpu.memory_space<hbm>>
    %dma_wait3A_182 = arith.constant 0 : i32
    %dma_wait3A_183 = tpu.memref_slice %arg4[%add3A_179, %dma_wait3A_182] : memref<100000x128xf32, #tpu.memory_space<hbm>> -> memref<248x128xf32, #tpu.memory_space<hbm>>
    tpu.wait_dma2 semaphore(%arg16 : memref<!tpu.dma_semaphore, #tpu.memory_space<semaphore_mem>>) src(%arg8 : memref<248x128xf32, #tpu.memory_space<vmem>>) dst(%dma_wait3A_183 : memref<248x128xf32, #tpu.memory_space<hbm>>)
    %dma_start3A_184 = arith.constant 2480 : i32
    %dma_start3A_185 = tpu.memref_slice %arg5[%dma_start3A_184] : memref<3128xi32, #tpu.memory_space<vmem>> -> memref<248xi32, #tpu.memory_space<vmem>>
    %dma_start3A_186 = arith.constant 0 : i32
    %dma_start3A_187 = arith.constant 0 : i32
    %dma_start3A_188 = tpu.memref_slice %arg2[%dma_start3A_186, %dma_start3A_187] : memref<100000x128xf32, #tpu.memory_space<hbm>> -> memref<100000x128xf32, #tpu.memory_space<hbm>>
    tpu.enqueue_indirect_dma source(%dma_start3A_188 : memref<100000x128xf32, #tpu.memory_space<hbm>>) target(%arg8 : memref<248x128xf32, #tpu.memory_space<vmem>>) offsets(%dma_start3A_185 : memref<248xi32, #tpu.memory_space<vmem>>) semaphore(%arg12 : memref<!tpu.dma_semaphore, #tpu.memory_space<semaphore_mem>>)
    %dma_wait3A_189 = arith.constant 1984 : i32
    %dma_wait3A_190 = tpu.memref_slice %arg5[%dma_wait3A_189] : memref<3128xi32, #tpu.memory_space<vmem>> -> memref<248xi32, #tpu.memory_space<vmem>>
    %dma_wait3A_191 = arith.constant 0 : i32
    %dma_wait3A_192 = arith.constant 0 : i32
    %dma_wait3A_193 = tpu.memref_slice %arg2[%dma_wait3A_191, %dma_wait3A_192] : memref<100000x128xf32, #tpu.memory_space<hbm>> -> memref<100000x128xf32, #tpu.memory_space<hbm>>
    tpu.wait_indirect_dma semaphore(%arg10 : memref<!tpu.dma_semaphore, #tpu.memory_space<semaphore_mem>>) src(%dma_wait3A_193 : memref<100000x128xf32, #tpu.memory_space<hbm>>) dst(%arg6 : memref<248x128xf32, #tpu.memory_space<vmem>>)
    %add3A_194 = arith.constant 1984 : i32
    %add3A_195 = arith.addi %min3A_3, %add3A_194 : i32
    %dma_start3A_196 = arith.constant 0 : i32
    %dma_start3A_197 = tpu.memref_slice %arg4[%add3A_195, %dma_start3A_196] : memref<100000x128xf32, #tpu.memory_space<hbm>> -> memref<248x128xf32, #tpu.memory_space<hbm>>
    %dma_start3A_198 = arith.constant 0 : i32
    %dma_start3A_199 = tpu.memref_slice %arg4[%add3A_195, %dma_start3A_198] : memref<100000x128xf32, #tpu.memory_space<hbm>> -> memref<248x128xf32, #tpu.memory_space<hbm>>
    tpu.enqueue_dma source(%arg6 : memref<248x128xf32, #tpu.memory_space<vmem>>) target(%dma_start3A_199 : memref<248x128xf32, #tpu.memory_space<hbm>>) target_semaphore(%arg14 : memref<!tpu.dma_semaphore, #tpu.memory_space<semaphore_mem>>)
    %add3A_200 = arith.constant 1736 : i32
    %add3A_201 = arith.addi %min3A_3, %add3A_200 : i32
    %dma_wait3A_202 = arith.constant 0 : i32
    %dma_wait3A_203 = tpu.memref_slice %arg4[%add3A_201, %dma_wait3A_202] : memref<100000x128xf32, #tpu.memory_space<hbm>> -> memref<248x128xf32, #tpu.memory_space<hbm>>
    %dma_wait3A_204 = arith.constant 0 : i32
    %dma_wait3A_205 = tpu.memref_slice %arg4[%add3A_201, %dma_wait3A_204] : memref<100000x128xf32, #tpu.memory_space<hbm>> -> memref<248x128xf32, #tpu.memory_space<hbm>>
    tpu.wait_dma2 semaphore(%arg17 : memref<!tpu.dma_semaphore, #tpu.memory_space<semaphore_mem>>) src(%arg9 : memref<248x128xf32, #tpu.memory_space<vmem>>) dst(%dma_wait3A_205 : memref<248x128xf32, #tpu.memory_space<hbm>>)
    %dma_start3A_206 = arith.constant 2728 : i32
    %dma_start3A_207 = tpu.memref_slice %arg5[%dma_start3A_206] : memref<3128xi32, #tpu.memory_space<vmem>> -> memref<248xi32, #tpu.memory_space<vmem>>
    %dma_start3A_208 = arith.constant 0 : i32
    %dma_start3A_209 = arith.constant 0 : i32
    %dma_start3A_210 = tpu.memref_slice %arg2[%dma_start3A_208, %dma_start3A_209] : memref<100000x128xf32, #tpu.memory_space<hbm>> -> memref<100000x128xf32, #tpu.memory_space<hbm>>
    tpu.enqueue_indirect_dma source(%dma_start3A_210 : memref<100000x128xf32, #tpu.memory_space<hbm>>) target(%arg9 : memref<248x128xf32, #tpu.memory_space<vmem>>) offsets(%dma_start3A_207 : memref<248xi32, #tpu.memory_space<vmem>>) semaphore(%arg13 : memref<!tpu.dma_semaphore, #tpu.memory_space<semaphore_mem>>)
    %dma_wait3A_211 = arith.constant 2232 : i32
    %dma_wait3A_212 = tpu.memref_slice %arg5[%dma_wait3A_211] : memref<3128xi32, #tpu.memory_space<vmem>> -> memref<248xi32, #tpu.memory_space<vmem>>
    %dma_wait3A_213 = arith.constant 0 : i32
    %dma_wait3A_214 = arith.constant 0 : i32
    %dma_wait3A_215 = tpu.memref_slice %arg2[%dma_wait3A_213, %dma_wait3A_214] : memref<100000x128xf32, #tpu.memory_space<hbm>> -> memref<100000x128xf32, #tpu.memory_space<hbm>>
    tpu.wait_indirect_dma semaphore(%arg11 : memref<!tpu.dma_semaphore, #tpu.memory_space<semaphore_mem>>) src(%dma_wait3A_215 : memref<100000x128xf32, #tpu.memory_space<hbm>>) dst(%arg7 : memref<248x128xf32, #tpu.memory_space<vmem>>)
    %add3A_216 = arith.constant 2232 : i32
    %add3A_217 = arith.addi %min3A_3, %add3A_216 : i32
    %dma_start3A_218 = arith.constant 0 : i32
    %dma_start3A_219 = tpu.memref_slice %arg4[%add3A_217, %dma_start3A_218] : memref<100000x128xf32, #tpu.memory_space<hbm>> -> memref<248x128xf32, #tpu.memory_space<hbm>>
    %dma_start3A_220 = arith.constant 0 : i32
    %dma_start3A_221 = tpu.memref_slice %arg4[%add3A_217, %dma_start3A_220] : memref<100000x128xf32, #tpu.memory_space<hbm>> -> memref<248x128xf32, #tpu.memory_space<hbm>>
    tpu.enqueue_dma source(%arg7 : memref<248x128xf32, #tpu.memory_space<vmem>>) target(%dma_start3A_221 : memref<248x128xf32, #tpu.memory_space<hbm>>) target_semaphore(%arg15 : memref<!tpu.dma_semaphore, #tpu.memory_space<semaphore_mem>>)
    %add3A_222 = arith.constant 1984 : i32
    %add3A_223 = arith.addi %min3A_3, %add3A_222 : i32
    %dma_wait3A_224 = arith.constant 0 : i32
    %dma_wait3A_225 = tpu.memref_slice %arg4[%add3A_223, %dma_wait3A_224] : memref<100000x128xf32, #tpu.memory_space<hbm>> -> memref<248x128xf32, #tpu.memory_space<hbm>>
    %dma_wait3A_226 = arith.constant 0 : i32
    %dma_wait3A_227 = tpu.memref_slice %arg4[%add3A_223, %dma_wait3A_226] : memref<100000x128xf32, #tpu.memory_space<hbm>> -> memref<248x128xf32, #tpu.memory_space<hbm>>
    tpu.wait_dma2 semaphore(%arg14 : memref<!tpu.dma_semaphore, #tpu.memory_space<semaphore_mem>>) src(%arg6 : memref<248x128xf32, #tpu.memory_space<vmem>>) dst(%dma_wait3A_227 : memref<248x128xf32, #tpu.memory_space<hbm>>)
    %dma_start3A_228 = arith.constant 0 : i32
    %dma_start3A_229 = arith.constant 0 : i32
    %dma_start3A_230 = tpu.memref_slice %arg6[%dma_start3A_228, %dma_start3A_229] : memref<248x128xf32, #tpu.memory_space<vmem>> -> memref<152x128xf32, #tpu.memory_space<vmem>>
    %dma_start3A_231 = arith.constant 2976 : i32
    %dma_start3A_232 = tpu.memref_slice %arg5[%dma_start3A_231] : memref<3128xi32, #tpu.memory_space<vmem>> -> memref<152xi32, #tpu.memory_space<vmem>>
    %dma_start3A_233 = arith.constant 0 : i32
    %dma_start3A_234 = arith.constant 0 : i32
    %dma_start3A_235 = tpu.memref_slice %arg2[%dma_start3A_233, %dma_start3A_234] : memref<100000x128xf32, #tpu.memory_space<hbm>> -> memref<100000x128xf32, #tpu.memory_space<hbm>>
    tpu.enqueue_indirect_dma source(%dma_start3A_235 : memref<100000x128xf32, #tpu.memory_space<hbm>>) target(%dma_start3A_230 : memref<152x128xf32, #tpu.memory_space<vmem>>) offsets(%dma_start3A_232 : memref<152xi32, #tpu.memory_space<vmem>>) semaphore(%arg10 : memref<!tpu.dma_semaphore, #tpu.memory_space<semaphore_mem>>)
    %dma_wait3A_236 = arith.constant 2480 : i32
    %dma_wait3A_237 = tpu.memref_slice %arg5[%dma_wait3A_236] : memref<3128xi32, #tpu.memory_space<vmem>> -> memref<248xi32, #tpu.memory_space<vmem>>
    %dma_wait3A_238 = arith.constant 0 : i32
    %dma_wait3A_239 = arith.constant 0 : i32
    %dma_wait3A_240 = tpu.memref_slice %arg2[%dma_wait3A_238, %dma_wait3A_239] : memref<100000x128xf32, #tpu.memory_space<hbm>> -> memref<100000x128xf32, #tpu.memory_space<hbm>>
    tpu.wait_indirect_dma semaphore(%arg12 : memref<!tpu.dma_semaphore, #tpu.memory_space<semaphore_mem>>) src(%dma_wait3A_240 : memref<100000x128xf32, #tpu.memory_space<hbm>>) dst(%arg8 : memref<248x128xf32, #tpu.memory_space<vmem>>)
    %add3A_241 = arith.constant 2480 : i32
    %add3A_242 = arith.addi %min3A_3, %add3A_241 : i32
    %dma_start3A_243 = arith.constant 0 : i32
    %dma_start3A_244 = tpu.memref_slice %arg4[%add3A_242, %dma_start3A_243] : memref<100000x128xf32, #tpu.memory_space<hbm>> -> memref<248x128xf32, #tpu.memory_space<hbm>>
    %dma_start3A_245 = arith.constant 0 : i32
    %dma_start3A_246 = tpu.memref_slice %arg4[%add3A_242, %dma_start3A_245] : memref<100000x128xf32, #tpu.memory_space<hbm>> -> memref<248x128xf32, #tpu.memory_space<hbm>>
    tpu.enqueue_dma source(%arg8 : memref<248x128xf32, #tpu.memory_space<vmem>>) target(%dma_start3A_246 : memref<248x128xf32, #tpu.memory_space<hbm>>) target_semaphore(%arg16 : memref<!tpu.dma_semaphore, #tpu.memory_space<semaphore_mem>>)
    %dma_wait3A_247 = arith.constant 2728 : i32
    %dma_wait3A_248 = tpu.memref_slice %arg5[%dma_wait3A_247] : memref<3128xi32, #tpu.memory_space<vmem>> -> memref<248xi32, #tpu.memory_space<vmem>>
    %dma_wait3A_249 = arith.constant 0 : i32
    %dma_wait3A_250 = arith.constant 0 : i32
    %dma_wait3A_251 = tpu.memref_slice %arg2[%dma_wait3A_249, %dma_wait3A_250] : memref<100000x128xf32, #tpu.memory_space<hbm>> -> memref<100000x128xf32, #tpu.memory_space<hbm>>
    tpu.wait_indirect_dma semaphore(%arg13 : memref<!tpu.dma_semaphore, #tpu.memory_space<semaphore_mem>>) src(%dma_wait3A_251 : memref<100000x128xf32, #tpu.memory_space<hbm>>) dst(%arg9 : memref<248x128xf32, #tpu.memory_space<vmem>>)
    %add3A_252 = arith.constant 2728 : i32
    %add3A_253 = arith.addi %min3A_3, %add3A_252 : i32
    %dma_start3A_254 = arith.constant 0 : i32
    %dma_start3A_255 = tpu.memref_slice %arg4[%add3A_253, %dma_start3A_254] : memref<100000x128xf32, #tpu.memory_space<hbm>> -> memref<248x128xf32, #tpu.memory_space<hbm>>
    %dma_start3A_256 = arith.constant 0 : i32
    %dma_start3A_257 = tpu.memref_slice %arg4[%add3A_253, %dma_start3A_256] : memref<100000x128xf32, #tpu.memory_space<hbm>> -> memref<248x128xf32, #tpu.memory_space<hbm>>
    tpu.enqueue_dma source(%arg9 : memref<248x128xf32, #tpu.memory_space<vmem>>) target(%dma_start3A_257 : memref<248x128xf32, #tpu.memory_space<hbm>>) target_semaphore(%arg17 : memref<!tpu.dma_semaphore, #tpu.memory_space<semaphore_mem>>)
    %dma_wait3A_258 = arith.constant 0 : i32
    %dma_wait3A_259 = arith.constant 0 : i32
    %dma_wait3A_260 = tpu.memref_slice %arg6[%dma_wait3A_258, %dma_wait3A_259] : memref<248x128xf32, #tpu.memory_space<vmem>> -> memref<152x128xf32, #tpu.memory_space<vmem>>
    %dma_wait3A_261 = arith.constant 2976 : i32
    %dma_wait3A_262 = tpu.memref_slice %arg5[%dma_wait3A_261] : memref<3128xi32, #tpu.memory_space<vmem>> -> memref<152xi32, #tpu.memory_space<vmem>>
    %dma_wait3A_263 = arith.constant 0 : i32
    %dma_wait3A_264 = arith.constant 0 : i32
    %dma_wait3A_265 = tpu.memref_slice %arg2[%dma_wait3A_263, %dma_wait3A_264] : memref<100000x128xf32, #tpu.memory_space<hbm>> -> memref<100000x128xf32, #tpu.memory_space<hbm>>
    tpu.wait_indirect_dma semaphore(%arg10 : memref<!tpu.dma_semaphore, #tpu.memory_space<semaphore_mem>>) src(%dma_wait3A_265 : memref<100000x128xf32, #tpu.memory_space<hbm>>) dst(%dma_wait3A_260 : memref<152x128xf32, #tpu.memory_space<vmem>>)
    %add3A_266 = arith.constant 2976 : i32
    %add3A_267 = arith.addi %min3A_3, %add3A_266 : i32
    %dma_start3A_268 = arith.constant 0 : i32
    %dma_start3A_269 = arith.constant 0 : i32
    %dma_start3A_270 = tpu.memref_slice %arg6[%dma_start3A_268, %dma_start3A_269] : memref<248x128xf32, #tpu.memory_space<vmem>> -> memref<152x128xf32, #tpu.memory_space<vmem>>
    %dma_start3A_271 = arith.constant 0 : i32
    %dma_start3A_272 = tpu.memref_slice %arg4[%add3A_267, %dma_start3A_271] : memref<100000x128xf32, #tpu.memory_space<hbm>> -> memref<152x128xf32, #tpu.memory_space<hbm>>
    %dma_start3A_273 = arith.constant 0 : i32
    %dma_start3A_274 = tpu.memref_slice %arg4[%add3A_267, %dma_start3A_273] : memref<100000x128xf32, #tpu.memory_space<hbm>> -> memref<152x128xf32, #tpu.memory_space<hbm>>
    %dma_start3A_275 = arith.constant 0 : i32
    %dma_start3A_276 = arith.constant 0 : i32
    %dma_start3A_277 = tpu.memref_slice %arg6[%dma_start3A_275, %dma_start3A_276] : memref<248x128xf32, #tpu.memory_space<vmem>> -> memref<152x128xf32, #tpu.memory_space<vmem>>
    tpu.enqueue_dma source(%dma_start3A_277 : memref<152x128xf32, #tpu.memory_space<vmem>>) target(%dma_start3A_274 : memref<152x128xf32, #tpu.memory_space<hbm>>) target_semaphore(%arg14 : memref<!tpu.dma_semaphore, #tpu.memory_space<semaphore_mem>>)
    %add3A_278 = arith.constant 2232 : i32
    %add3A_279 = arith.addi %min3A_3, %add3A_278 : i32
    %dma_wait3A_280 = arith.constant 0 : i32
    %dma_wait3A_281 = tpu.memref_slice %arg4[%add3A_279, %dma_wait3A_280] : memref<100000x128xf32, #tpu.memory_space<hbm>> -> memref<248x128xf32, #tpu.memory_space<hbm>>
    %dma_wait3A_282 = arith.constant 0 : i32
    %dma_wait3A_283 = tpu.memref_slice %arg4[%add3A_279, %dma_wait3A_282] : memref<100000x128xf32, #tpu.memory_space<hbm>> -> memref<248x128xf32, #tpu.memory_space<hbm>>
    tpu.wait_dma2 semaphore(%arg15 : memref<!tpu.dma_semaphore, #tpu.memory_space<semaphore_mem>>) src(%arg7 : memref<248x128xf32, #tpu.memory_space<vmem>>) dst(%dma_wait3A_283 : memref<248x128xf32, #tpu.memory_space<hbm>>)
    %add3A_284 = arith.constant 2480 : i32
    %add3A_285 = arith.addi %min3A_3, %add3A_284 : i32
    %dma_wait3A_286 = arith.constant 0 : i32
    %dma_wait3A_287 = tpu.memref_slice %arg4[%add3A_285, %dma_wait3A_286] : memref<100000x128xf32, #tpu.memory_space<hbm>> -> memref<248x128xf32, #tpu.memory_space<hbm>>
    %dma_wait3A_288 = arith.constant 0 : i32
    %dma_wait3A_289 = tpu.memref_slice %arg4[%add3A_285, %dma_wait3A_288] : memref<100000x128xf32, #tpu.memory_space<hbm>> -> memref<248x128xf32, #tpu.memory_space<hbm>>
    tpu.wait_dma2 semaphore(%arg16 : memref<!tpu.dma_semaphore, #tpu.memory_space<semaphore_mem>>) src(%arg8 : memref<248x128xf32, #tpu.memory_space<vmem>>) dst(%dma_wait3A_289 : memref<248x128xf32, #tpu.memory_space<hbm>>)
    %add3A_290 = arith.constant 2728 : i32
    %add3A_291 = arith.addi %min3A_3, %add3A_290 : i32
    %dma_wait3A_292 = arith.constant 0 : i32
    %dma_wait3A_293 = tpu.memref_slice %arg4[%add3A_291, %dma_wait3A_292] : memref<100000x128xf32, #tpu.memory_space<hbm>> -> memref<248x128xf32, #tpu.memory_space<hbm>>
    %dma_wait3A_294 = arith.constant 0 : i32
    %dma_wait3A_295 = tpu.memref_slice %arg4[%add3A_291, %dma_wait3A_294] : memref<100000x128xf32, #tpu.memory_space<hbm>> -> memref<248x128xf32, #tpu.memory_space<hbm>>
    tpu.wait_dma2 semaphore(%arg17 : memref<!tpu.dma_semaphore, #tpu.memory_space<semaphore_mem>>) src(%arg9 : memref<248x128xf32, #tpu.memory_space<vmem>>) dst(%dma_wait3A_295 : memref<248x128xf32, #tpu.memory_space<hbm>>)
    %add3A_296 = arith.constant 2976 : i32
    %add3A_297 = arith.addi %min3A_3, %add3A_296 : i32
    %dma_wait3A_298 = arith.constant 0 : i32
    %dma_wait3A_299 = arith.constant 0 : i32
    %dma_wait3A_300 = tpu.memref_slice %arg6[%dma_wait3A_298, %dma_wait3A_299] : memref<248x128xf32, #tpu.memory_space<vmem>> -> memref<152x128xf32, #tpu.memory_space<vmem>>
    %dma_wait3A_301 = arith.constant 0 : i32
    %dma_wait3A_302 = tpu.memref_slice %arg4[%add3A_297, %dma_wait3A_301] : memref<100000x128xf32, #tpu.memory_space<hbm>> -> memref<152x128xf32, #tpu.memory_space<hbm>>
    %dma_wait3A_303 = arith.constant 0 : i32
    %dma_wait3A_304 = tpu.memref_slice %arg4[%add3A_297, %dma_wait3A_303] : memref<100000x128xf32, #tpu.memory_space<hbm>> -> memref<152x128xf32, #tpu.memory_space<hbm>>
    %dma_wait3A_305 = arith.constant 0 : i32
    %dma_wait3A_306 = arith.constant 0 : i32
    %dma_wait3A_307 = tpu.memref_slice %arg6[%dma_wait3A_305, %dma_wait3A_306] : memref<248x128xf32, #tpu.memory_space<vmem>> -> memref<152x128xf32, #tpu.memory_space<vmem>>
    tpu.wait_dma2 semaphore(%arg14 : memref<!tpu.dma_semaphore, #tpu.memory_space<semaphore_mem>>) src(%dma_wait3A_307 : memref<152x128xf32, #tpu.memory_space<vmem>>) dst(%dma_wait3A_304 : memref<152x128xf32, #tpu.memory_space<hbm>>)
    return
  }
}

</mosaic_0001>

<sc_bundles>
// kernel: kernel.3.cloned.1.call-start
scs
__scs_entry_jumppad:
0x0: {  	(pc) =	sbr.rel $0x88, $3  }
0x1: {  	(tag) =	ssettag $0x0;
	lr =	simm.s32 $0x1  }
0x2: {  	[smem:$0x3F9F] =	sst lr;
	_ =	strace $0xD0000000  }
0x3: {  	_ = 	snop  }
0x4: {  	_ = 	snop  }
0x5: {  	_ = 	snop  }
0x6: {  	_ = 	snop  }
0x7: {  	_ = 	snop  }
__scs_overlays_trampoline_lowered:
0x8: {  	[smem:$0x3FAE] =	sst s0  }
0x9: {  	[smem:$0x3FAF] =	sst s1  }
0xa: {  	[smem:$0x3FB0] =	sst s2  }
0xb: {  	[smem:$0x3FB1] =	sst s3  }
0xc: {  	[smem:$0x3FB2] =	sst s4  }
0xd: {  	[smem:$0x3FB3] =	sst s5  }
0xe: {  	[smem:$0x3FB4] =	sst s6  }
0xf: {  	[smem:$0x3FB5] =	sst s7  }
0x10: {  	[smem:$0x3FB6] =	sst s8  }
0x11: {  	[smem:$0x3FB7] =	sst s9;
	s0 =	simm.s32 @!p0 $0x0  }
0x12: {  	s1 =	sld [smem:$0x3F9D];
	s0 =	simm.s32 @p0 $0x1  }
0x13: {  	[smem:$0x3FB8] =	sst s0;
	s0 =	simm.s32 @!p1 $0x0  }
0x14: {  	s2 =	sld [smem:$0x3F9C];
	s0 =	simm.s32 @p1 $0x1  }
0x15: {  	[smem:$0x3FB9] =	sst s0;
	s0 =	simm.s32 @!p2 $0x0  }
0x16: {  	s3 =	sld [smem:$0x3FDB];
	s0 =	simm.s32 @p2 $0x1  }
0x17: {  	s4 =	simm.s32 $0x1BF5;
	[smem:$0x3FBB] =	sst s0  }
0x18: {  	s0 =	sld [smem:$0x3F9E];
	_ =	swait.ge [sflag:s4], $0x0  }
0x19: {  	s7 =	sld [smem:$0x3F9F]  }
0x1a: {  	s8 =	sadd.s32 $0xFFFFE003, lr  }
0x1b: {  	s9 =	sadd.s32 $0xFFFFFEF7, lr;
	s5 =	simm.s32 $0xFFFFFFFF;
	p2 =	slt.u32 s8, $0xFFFFF086  }
0x1c: {  	p1 =	slt.u32 s9, $0xF7A;
	s5 =	simm.s32 @!p2 $0x0  }
0x1d: {  	s5 =	simm.s32 @p1 $0x1;
	p0 =	seq.s32 s7, s2  }
0x1e: {  	s7 =	smul.u32 @!p0 $0xF7A, s2;
	p2 =	seq.s32 @!p0 s5, $0x0  }
0x1f: {  	s9 =	smul.u32 $0xF7A, s1;
	s8 =	simm.s32 @!p0 $0x1BF5;
	p2 =	por !p2, p0  }
0x20: {  	[sflag:s8] =	ssyncset.s32 @!p0 $0xFFFFF086;
	s6 =	sadd.s32 @!p0 s3, s7;
	s7 =	simm.s32 @!p0 $0x108  }
0x21: {  	s3 =	sadd.s32 s3, s9;
	s6 =	sadd.s32 @!p0 $0x88, s6;
	s7 =	simm.s32 @p2 $0x1082  }
0x22: {  	[simem:s7], [sflag:s8] =	dma.local @!p0 [hbm:s6], $0xF7A  }
0x23: {  	s9 =	sor.u32 $0xD0000000, s2;
	s6 =	simm.s32 $0x108;
	_ =	swait.ge @!p0 [sflag:s8], $0x0  }
0x24: {  	s3 =	sadd.s32 $0x88, s3;
	s6 =	simm.s32 @!p1 $0x1082;
	[sflag:s4] =	ssyncset.s32 $0xFFFFF086  }
0x25: {  	[simem:s6], [sflag:s4] =	dma.local [hbm:s3], $0xF7A  }
0x26: {  	[smem:$0x3F9F] =	sst s1;
	(tag) =	ssettag s2;
	_ =	strace s9  }
0x27: {  	s1 =	sld [smem:$0x3FAF]  }
0x28: {  	s2 =	sld [smem:$0x3FB0]  }
0x29: {  	s4 =	sld [smem:$0x3FB2]  }
0x2a: {  	p0 =	seq.s32 s5, $0x0;
	s5 =	sld [smem:$0x3FB3]  }
0x2b: {  	s6 =	sld [smem:$0x3FB4]  }
0x2c: {  	s7 =	sld [smem:$0x3FB5]  }
0x2d: {  	s3 =	simm.s32 $0x108;
	s8 =	sld [smem:$0x3FB6]  }
0x2e: {  	s3 =	simm.s32 @!p0 $0x1082;
	s9 =	sld [smem:$0x3FB7]  }
0x2f: {  	lr =	sadd.s32 s0, s3;
	s0 =	sld [smem:$0x3FAE]  }
0x30: {  	s3 =	sld [smem:$0x3FB1]  }
0x31: {  	[smem:$0x3FBA] =	sst s10  }
0x32: {  	s10 =	sld [smem:$0x3FB8];
	_ =	sdelay $0x3  }
0x33: {  	p0 =	seq.s32 s10, $0x1;
	s10 =	sld [smem:$0x3FBA];
	_ =	sdelay $0x3  }
0x34: {  	[smem:$0x3FBA] =	sst s10  }
0x35: {  	s10 =	sld [smem:$0x3FB9];
	_ =	sdelay $0x3  }
0x36: {  	p1 =	seq.s32 s10, $0x1;
	s10 =	sld [smem:$0x3FBA];
	_ =	sdelay $0x3  }
0x37: {  	[smem:$0x3FBA] =	sst s10  }
0x38: {  	s10 =	sld [smem:$0x3FBB]  }
0x39: {  	_ = 	snop;
	(pc) =	sbr.ind lr, $3  }
0x3a: {  	_ = 	snop  }
0x3b: {  	_ = 	snop  }
0x3c: {  	p2 =	seq.s32 s10, $0x1;
	s10 =	sld [smem:$0x3FBA]  }
0x3d: {  	_ =	shalt  }
0x3e: {  	_ =	shalt  }
0x3f: {  	_ =	shalt  }
0x40: {  	_ =	shalt  }
0x41: {  	_ =	shalt  }
0x42: {  	_ =	shalt  }
0x43: {  	_ =	shalt  }
0x44: {  	_ =	shalt  }
0x45: {  	_ =	shalt  }
0x46: {  	_ =	shalt  }
0x47: {  	_ =	shalt  }
0x48: {  	_ =	shalt  }
0x49: {  	_ =	shalt  }
0x4a: {  	_ =	shalt  }
0x4b: {  	_ =	shalt  }
0x4c: {  	_ =	shalt  }
0x4d: {  	_ =	shalt  }
0x4e: {  	_ =	shalt  }
0x4f: {  	_ =	shalt  }
0x50: {  	_ =	shalt  }
0x51: {  	_ =	shalt  }
0x52: {  	_ =	shalt  }
0x53: {  	_ =	shalt  }
0x54: {  	_ =	shalt  }
0x55: {  	_ =	shalt  }
0x56: {  	_ =	shalt  }
0x57: {  	_ =	shalt  }
0x58: {  	_ =	shalt  }
0x59: {  	_ =	shalt  }
0x5a: {  	_ =	shalt  }
0x5b: {  	_ =	shalt  }
0x5c: {  	_ =	shalt  }
0x5d: {  	_ =	shalt  }
0x5e: {  	_ =	shalt  }
0x5f: {  	_ =	shalt  }
0x60: {  	_ =	shalt  }
0x61: {  	_ =	shalt  }
0x62: {  	_ =	shalt  }
0x63: {  	_ =	shalt  }
0x64: {  	_ =	shalt  }
0x65: {  	_ =	shalt  }
0x66: {  	_ =	shalt  }
0x67: {  	_ =	shalt  }
0x68: {  	_ =	shalt  }
0x69: {  	_ =	shalt  }
0x6a: {  	_ =	shalt  }
0x6b: {  	_ =	shalt  }
0x6c: {  	_ =	shalt  }
0x6d: {  	_ =	shalt  }
0x6e: {  	_ =	shalt  }
0x6f: {  	_ =	shalt  }
0x70: {  	_ =	shalt  }
0x71: {  	_ =	shalt  }
0x72: {  	_ =	shalt  }
0x73: {  	_ =	shalt  }
0x74: {  	_ =	shalt  }
0x75: {  	_ =	shalt  }
0x76: {  	_ =	shalt  }
0x77: {  	_ =	shalt  }
0x78: {  	_ =	shalt  }
0x79: {  	_ =	shalt  }
0x7a: {  	_ =	shalt  }
0x7b: {  	_ =	shalt  }
0x7c: {  	_ =	shalt  }
0x7d: {  	_ =	shalt  }
0x7e: {  	_ =	shalt  }
0x7f: {  	_ =	shalt  }
0x80: {  	_ =	shalt  }
0x81: {  	_ =	shalt  }
0x82: {  	_ =	shalt  }
0x83: {  	_ =	shalt  }
0x84: {  	_ =	shalt  }
0x85: {  	_ =	shalt  }
0x86: {  	_ =	shalt  }
0x87: {  	_ =	shalt  }
.Lfunc_end0:
.L_simem_size_0:
called_computation_lowered:
.L_overlay_start_0:
0x88: {  	s2 =	sld [smem:$0x3FD9]  }
0x89: {  	s3 =	sld [smem:$0x3FFE];
	_ =	sdelay $0x1  }
0x8a: {  	s1 =	srdreg.scid  }
0x8b: {  	s0 =	sand.u32 $0x1, s1  }
0x8c: {  	s18 =	sshll.u32 s0, $0xA;
	s2 =	sadd.s32 s3, s2  }
0x8d: {  	s2 =	sadd.s32 s2, s18  }
0x8e: {  	[smem:$0x3FC6] =	sst s2  }
0x8f: {  	_ = 	snop  }
0x90: {  	s2 =	sld [smem:$0x3FC9]  }
0x91: {  	s19 =	sld [smem:$0x3FC8]  }
0x92: {  	s4 =	sld [smem:$0x3FD0];
	(tm) =	ssettm $0x1  }
0x93: {  	s5 =	sld [smem:$0x3FFB];
	_ =	sdelay $0x3  }
0x94: {  	_ =	strace s5  }
0x95: {  	s5 =	sld [smem:$0x3FFC];
	_ =	sdelay $0x3  }
0x96: {  	_ =	strace s5  }
0x97: {  	s5 =	sld [smem:$0x3FFD];
	_ =	sdelay $0x3  }
0x98: {  	_ =	strace s5  }
0x99: {  	_ =	strace $0x8FFFFFFF  }
0x9a: {  	s20 =	sld [smem:$0x3FDB];
	_ =	sdelay $0x1  }
0x9b: {  	s6 =	simm.s32 $_scs_section_size  }
0x9c: {  	s7 =	simm.s32 $_size__tile_overlayer_lowered;
	s8 =	simm.s32 $_tile_overlayer_lowered  }
0x9d: {  	s23 =	simm.s32 $0x1BFF;
	s22 =	sshll.u32 s8, $0x1;
	s5 =	sadd.s32 s6, s20  }
0x9e: {  	s9 =	simm.s32 $0x0;
	s21 =	sshll.u32 s7, $0x1;
	s7 =	sadd.s32 s22, s5  }
0x9f: {  	[timem:s9], [sflag:s23] =	dma.local [hbm:s7], s21  }
0xa0: {  	_ =	swait.ge [sflag:s23], s21  }
0xa1: {  	s6 =	ssub.s32 $0x0, s21;
	[sflag:s23] =	ssyncset.done $0x0  }
0xa2: {  	[sflag:s23] =	ssyncadd.s32 s6;
	_ =	sdelay $0x1  }
0xa3: {  	s24 =	simm.s32 $0x1B8B  }
0xa4: {  	_ =	swait.ge [sflag:s24], $0x1  }
0xa5: {  	[sflag:s24] =	ssyncset.done $0x0  }
0xa6: {  	s25 =	simm.s32 $0x1B8E;
	[sflag:s24] =	ssyncadd.s32 $0xFFFFFFFF  }
0xa7: {  	s26 =	simm.s32 $execute0_lowered;
	[smem:$0x3FD2] =	sst s25  }
0xa8: {  	s6 =	sshll.u32 s26, $0x1;
	_ =	strace $0x80000046;
	[dreg:$0x1] =	wrdreg $0xFFFFFFFF  }
0xa9: {  	s28 =	simm.s32 $_size_execute0_lowered;
	s5 =	sadd.s32 s5, s6;
	[dreg:$0x0] =	wrdreg $0x0  }
0xaa: {  	s6 =	sshll.u32 s28, $0x1;
	[dreg:$0x2] =	wrdreg s5  }
0xab: {  	[dreg:$0x3] =	wrdreg s6  }
0xac: {  	[dreg:$0x4] =	wrdreg $0xC0  }
0xad: {  	_ =	task [dreg:s9], $0x5FFFF  }
0xae: {  	[dreg:$0x1] =	wrdreg $0xFFFFFFFF  }
0xaf: {  	[dreg:$0x0] =	wrdreg $0x60  }
0xb0: {  	[dreg:$0x2] =	wrdreg s19  }
0xb1: {  	[dreg:$0x3] =	wrdreg s2  }
0xb2: {  	[dreg:$0x4] =	wrdreg s4  }
0xb3: {  	[dreg:$0x5] =	wrdreg $0x9  }
0xb4: {  	_ =	task.clear_ibuf [dreg:s9], $0x6FFFF;
	_ =	strace $0x90000046  }
0xb5: {  	s29 =	simm.s32 $0x9;
	_ =	strace $0x80000048  }
0xb6: {  	_ =	swait.ge [sflag:s29], $0x1  }
0xb7: {  	[sflag:s29] =	ssyncadd.s32 $0xFFFFFFFF  }
0xb8: {  	_ =	strace $0x90000048  }
0xb9: {  	_ =	sfence  }
0xba: {  	s30 =	sld [smem:$0x0];
	_ =	sdelay $0x2  }
0xbb: {  	s31 =	sshll.u32 s1, $0xD;
	s1 =	sshrl.u32 s1, $0x2  }
0xbc: {  	s3 =	sand.u32 $0x4000, s31;
	s1 =	sadd.s32 s1, s30  }
0xbd: {  	s0 =	sor.u32 s3, s0;
	s1 =	sshll.u32 s1, $0x11  }
0xbe: {  	s0 =	sor.u32 s1, s0  }
0xbf: {  	s0 =	sadd.s32 $0x8F2B, s0  }
0xc0: {  	[sflag:s0] =	ssyncadd.remote.s32 $0x1  }
0xc1: {  	_ =	sfence.sel $0xFFFF  }
0xc2: {  	[dreg:$0x0] =	wrdreg $0xFFFFFFFF;
	(pc) =	sbr.abs _section_cstart, $3  }
0xc3: {  	[dreg:$0x1] =	wrdreg $0xFFFFFFFF  }
0xc4: {  	_ =	task.clear_ibuf [dreg:s9], $0x2FFFF;
	_ =	strace $0x9FFFFFFF  }
0xc5: {  	(tm) =	ssettm $0x7FFFFFFF  }
tec
execute0_lowered:
.L_overlay_start_1:
0x0: {  	(tag) =	ssettag $0x1  }
0x1: {  	s3 =	rddreg [dreg:$0x0]  }
0x2: {  	s0 =	srdreg.scid;
	s4 =	rddreg [dreg:$0x1]  }
0x3: {  	s1 =	stileid.u32;
	s5 =	rddreg [dreg:$0x2]  }
0x4: {  	s2 =	simm.s32 $0x0;
	s0 =	sand.u32 $0x1, s0;
	s1 =	sshll.u32 s1, $0x1  }
0x5: {  	s30 =	simm.s32 $0x9;
	s13 =	simm.s32 $0x8880;
	s1 =	sor.u32 s0, s1  }
0x6: {  	s31 =	simm.s32 $0x1F0;
	s11 =	simm.s32 $0x10480;
	s1 =	smul.u32 $0xC38, s1  }
0x7: {  	s29 =	simm.s32 $0x2E8;
	s10 =	simm.s32 $0x18080;
	s28 =	simm.s32 $0x3E0  }
0x8: {  	s8 =	simm.s32 $0x6;
	s12 =	simm.s32 $0x4;
	s1 =	smin.u32 s1, $0x17A68  }
0x9: {  	s9 =	simm.s32 $0x7;
	s6 =	sshrl.u32 s1, $0x3;
	s1 =	sshll.u32 s1, $0x4  }
0xa: {  	[smem:$0x7FF] =	sst s2;
	s4 =	sadd.s32 s4, s6;
	s22 =	sadd.s32 s5, s1  }
0xb: {  	_ =	strace $0x80000047;
	[dreg:$0x4] =	wrdreg s4;
	s1 =	sadd.s32 $0xF80, s22  }
0xc: {  	s7 =	simm.s32 $0x8;
	s14 =	sadd.s32 $0x1F00, s22;
	[dreg:$0x5] =	wrdreg s1  }
0xd: {  	p0 =	por $0x0, $0x0;
	s15 =	sadd.s32 $0x2E80, s22;
	[dreg:$0x6] =	wrdreg s14  }
0xe: {  	s0 =	ssub.s32 $0x2, s0;
	s16 =	sadd.s32 $0x3E00, s22;
	[dreg:$0x7] =	wrdreg s15  }
0xf: {  	s24 =	sshrl.u32 s0, $0x1;
	s17 =	sadd.s32 $0x4D80, s22;
	[dreg:$0x8] =	wrdreg s16  }
0x10: {  	s0 =	ssub.s32 s0, s24;
	s18 =	sadd.s32 $0x5D00, s22;
	[dreg:$0x9] =	wrdreg s17  }
0x11: {  	s24 =	simm.s32 $0x6C8;
	s19 =	sadd.s32 $0x6C80, s22;
	[dreg:$0xa] =	wrdreg s18  }
0x12: {  	s0 =	smax.u32 s0, $0x1;
	s20 =	sadd.s32 $0x7C00, s22;
	[dreg:$0xb] =	wrdreg s19  }
0x13: {  	p1 =	sne.s32 s0, $0x1;
	s21 =	sadd.s32 $0x8B80, s22;
	[dreg:$0xc] =	wrdreg s20  }
0x14: {  	s5 =	simm.s32 $0xC80;
	s23 =	sadd.s32 $0x9B00, s22;
	[dreg:$0xd] =	wrdreg s21  }
0x15: {  	s6 =	simm.s32 $0x1;
	s25 =	sadd.s32 $0xAA80, s22;
	[dreg:$0xe] =	wrdreg s23  }
0x16: {  	s26 =	sadd.s32 $0xBA00, s22;
	s4 =	simm.s32 $0x5;
	[dreg:$0xf] =	wrdreg s25  }
.Ltmp0:
0x17: {  	[dreg:$0x10] =	wrdreg s26;
	s15 =	simm.s32 $0xF8;
	(pc) =	sbr.rel @!p1 .LBB2_3-.Ltmp0, $4  }
0x18: {  	s16 =	simm.s32 $0x2;
	s14 =	simm.s32 $0x3;
	s26 =	simm.s32 $0x4D8  }
0x19: {  	s25 =	simm.s32 $0x5D0;
	s1 =	sadd.s32 $0xFFFFFFFF, s0;
	s23 =	simm.s32 $0x7C0  }
0x1a: {  	s21 =	simm.s32 $0x8B8;
	s20 =	simm.s32 $0x9B0;
	s19 =	simm.s32 $0xAA8  }
0x1b: {  	s17 =	simm.s32 $0x98;
	s18 =	simm.s32 $0xBA0;
	s0 =	rddreg [dreg:$0x4]  }
0x1c: {  	[tilespmem:s2], [sflag:$0x9] =	stream.linear.gather [hbm4b:s0+s2], $0xC38, $0x38;
	[tilespmem:$0x1FC80] =	vst v63  }
0x1d: {  	_ =	swait.ge [sflag:s30], $0xC38  }
0x1e: {  	[sflag:s30] =	ssyncset.done $0x0  }
0x1f: {  	[sflag:s30] =	ssyncadd.s32 $0xFFFFF3C8  }
0x20: {  	[tilespmem:s5], [sflag:$0x1] =	stream.indirect.gather [hbm4b:s3+s15], $0x80, s2, s15, $0xb8;
	[tilespmem:$0x1FC80] =	vst v63  }
0x21: {  	_ = 	snop  }
0x22: {  	[tilespmem:s13], [sflag:$0x2] =	stream.indirect.gather [hbm4b:s3+s15], $0x80, s15, s15, $0xb8;
	[tilespmem:$0x1FC80] =	vst v63  }
0x23: {  	_ = 	snop  }
0x24: {  	[tilespmem:s11], [sflag:$0x3] =	stream.indirect.gather [hbm4b:s3+s15], $0x80, s31, s15, $0xb8;
	[tilespmem:$0x1FC80] =	vst v63  }
0x25: {  	_ =	swait.ge [sflag:s6], $0x7C00  }
0x26: {  	[sflag:s6] =	ssyncset.done $0x0  }
0x27: {  	[sflag:s6] =	ssyncadd.s32 $0xFFFF8400  }
0x28: {  	[hbm4b:s22+s2] =	stream.linear.scatter [tilespmem:s5], [sflag:$0x5], $0x7C00, $0x38;
	[tilespmem:$0x1FC80] =	vst v63  }
0x29: {  	_ = 	snop  }
0x2a: {  	[tilespmem:s10], [sflag:$0x4] =	stream.indirect.gather [hbm4b:s3+s15], $0x80, s29, s15, $0xb8;
	[tilespmem:$0x1FC80] =	vst v63  }
0x2b: {  	_ =	swait.ge [sflag:s16], $0x7C00  }
0x2c: {  	[sflag:s16] =	ssyncset.done $0x0  }
0x2d: {  	s0 =	rddreg [dreg:$0x5];
	[sflag:s16] =	ssyncadd.s32 $0xFFFF8400  }
0x2e: {  	[hbm4b:s0+s2] =	stream.linear.scatter [tilespmem:s13], [sflag:$0x6], $0x7C00, $0x38;
	[tilespmem:$0x1FC80] =	vst v63  }
0x2f: {  	_ =	swait.ge [sflag:s4], $0x7C00  }
0x30: {  	[sflag:s4] =	ssyncset.done $0x0  }
0x31: {  	[sflag:s4] =	ssyncadd.s32 $0xFFFF8400  }
0x32: {  	[tilespmem:s5], [sflag:$0x1] =	stream.indirect.gather [hbm4b:s3+s15], $0x80, s28, s15, $0xb8;
	[tilespmem:$0x1FC80] =	vst v63  }
0x33: {  	_ =	swait.ge [sflag:s14], $0x7C00  }
0x34: {  	[sflag:s14] =	ssyncset.done $0x0  }
0x35: {  	s0 =	rddreg [dreg:$0x6];
	[sflag:s14] =	ssyncadd.s32 $0xFFFF8400  }
0x36: {  	[hbm4b:s0+s2] =	stream.linear.scatter [tilespmem:s11], [sflag:$0x7], $0x7C00, $0x38;
	[tilespmem:$0x1FC80] =	vst v63  }
0x37: {  	_ =	swait.ge [sflag:s8], $0x7C00  }
0x38: {  	[sflag:s8] =	ssyncset.done $0x0  }
0x39: {  	[sflag:s8] =	ssyncadd.s32 $0xFFFF8400  }
0x3a: {  	[tilespmem:s13], [sflag:$0x2] =	stream.indirect.gather [hbm4b:s3+s15], $0x80, s26, s15, $0xb8;
	[tilespmem:$0x1FC80] =	vst v63  }
0x3b: {  	_ =	swait.ge [sflag:s12], $0x7C00  }
0x3c: {  	[sflag:s12] =	ssyncset.done $0x0  }
0x3d: {  	s0 =	rddreg [dreg:$0x7];
	[sflag:s12] =	ssyncadd.s32 $0xFFFF8400  }
0x3e: {  	[hbm4b:s0+s2] =	stream.linear.scatter [tilespmem:s10], [sflag:$0x8], $0x7C00, $0x38;
	[tilespmem:$0x1FC80] =	vst v63  }
0x3f: {  	_ =	swait.ge [sflag:s9], $0x7C00  }
0x40: {  	[sflag:s9] =	ssyncset.done $0x0  }
0x41: {  	[sflag:s9] =	ssyncadd.s32 $0xFFFF8400  }
0x42: {  	[tilespmem:s11], [sflag:$0x3] =	stream.indirect.gather [hbm4b:s3+s15], $0x80, s25, s15, $0xb8;
	[tilespmem:$0x1FC80] =	vst v63  }
0x43: {  	_ =	swait.ge [sflag:s6], $0x7C00  }
0x44: {  	[sflag:s6] =	ssyncset.done $0x0  }
0x45: {  	s0 =	rddreg [dreg:$0x8];
	[sflag:s6] =	ssyncadd.s32 $0xFFFF8400  }
0x46: {  	[hbm4b:s0+s2] =	stream.linear.scatter [tilespmem:s5], [sflag:$0x5], $0x7C00, $0x38;
	[tilespmem:$0x1FC80] =	vst v63  }
0x47: {  	_ =	swait.ge [sflag:s7], $0x7C00  }
0x48: {  	[sflag:s7] =	ssyncset.done $0x0  }
0x49: {  	[sflag:s7] =	ssyncadd.s32 $0xFFFF8400  }
0x4a: {  	[tilespmem:s10], [sflag:$0x4] =	stream.indirect.gather [hbm4b:s3+s15], $0x80, s24, s15, $0xb8;
	[tilespmem:$0x1FC80] =	vst v63  }
0x4b: {  	_ =	swait.ge [sflag:s16], $0x7C00  }
0x4c: {  	[sflag:s16] =	ssyncset.done $0x0  }
0x4d: {  	s0 =	rddreg [dreg:$0x9];
	[sflag:s16] =	ssyncadd.s32 $0xFFFF8400  }
0x4e: {  	[hbm4b:s0+s2] =	stream.linear.scatter [tilespmem:s13], [sflag:$0x6], $0x7C00, $0x38;
	[tilespmem:$0x1FC80] =	vst v63  }
0x4f: {  	_ =	swait.ge [sflag:s4], $0x7C00  }
0x50: {  	[sflag:s4] =	ssyncset.done $0x0  }
0x51: {  	[sflag:s4] =	ssyncadd.s32 $0xFFFF8400  }
0x52: {  	[tilespmem:s5], [sflag:$0x1] =	stream.indirect.gather [hbm4b:s3+s15], $0x80, s23, s15, $0xb8;
	[tilespmem:$0x1FC80] =	vst v63  }
0x53: {  	_ =	swait.ge [sflag:s14], $0x7C00  }
0x54: {  	[sflag:s14] =	ssyncset.done $0x0  }
0x55: {  	s0 =	rddreg [dreg:$0xa];
	[sflag:s14] =	ssyncadd.s32 $0xFFFF8400  }
0x56: {  	[hbm4b:s0+s2] =	stream.linear.scatter [tilespmem:s11], [sflag:$0x7], $0x7C00, $0x38;
	[tilespmem:$0x1FC80] =	vst v63  }
0x57: {  	_ =	swait.ge [sflag:s8], $0x7C00  }
0x58: {  	[sflag:s8] =	ssyncset.done $0x0  }
0x59: {  	[sflag:s8] =	ssyncadd.s32 $0xFFFF8400  }
0x5a: {  	[tilespmem:s13], [sflag:$0x2] =	stream.indirect.gather [hbm4b:s3+s15], $0x80, s21, s15, $0xb8;
	[tilespmem:$0x1FC80] =	vst v63  }
0x5b: {  	_ =	swait.ge [sflag:s12], $0x7C00  }
0x5c: {  	[sflag:s12] =	ssyncset.done $0x0  }
0x5d: {  	s0 =	rddreg [dreg:$0xb];
	[sflag:s12] =	ssyncadd.s32 $0xFFFF8400  }
0x5e: {  	[hbm4b:s0+s2] =	stream.linear.scatter [tilespmem:s10], [sflag:$0x8], $0x7C00, $0x38;
	[tilespmem:$0x1FC80] =	vst v63  }
0x5f: {  	_ =	swait.ge [sflag:s9], $0x7C00  }
0x60: {  	[sflag:s9] =	ssyncset.done $0x0  }
0x61: {  	[sflag:s9] =	ssyncadd.s32 $0xFFFF8400  }
0x62: {  	[tilespmem:s11], [sflag:$0x3] =	stream.indirect.gather [hbm4b:s3+s15], $0x80, s20, s15, $0xb8;
	[tilespmem:$0x1FC80] =	vst v63  }
0x63: {  	_ =	swait.ge [sflag:s6], $0x7C00  }
0x64: {  	[sflag:s6] =	ssyncset.done $0x0  }
0x65: {  	s0 =	rddreg [dreg:$0xc];
	[sflag:s6] =	ssyncadd.s32 $0xFFFF8400  }
0x66: {  	[hbm4b:s0+s2] =	stream.linear.scatter [tilespmem:s5], [sflag:$0x5], $0x7C00, $0x38;
	[tilespmem:$0x1FC80] =	vst v63  }
0x67: {  	_ =	swait.ge [sflag:s7], $0x7C00  }
0x68: {  	[sflag:s7] =	ssyncset.done $0x0  }
0x69: {  	[sflag:s7] =	ssyncadd.s32 $0xFFFF8400  }
0x6a: {  	[tilespmem:s10], [sflag:$0x4] =	stream.indirect.gather [hbm4b:s3+s15], $0x80, s19, s15, $0xb8;
	[tilespmem:$0x1FC80] =	vst v63  }
0x6b: {  	_ =	swait.ge [sflag:s16], $0x7C00  }
0x6c: {  	[sflag:s16] =	ssyncset.done $0x0  }
0x6d: {  	s0 =	rddreg [dreg:$0xd];
	[sflag:s16] =	ssyncadd.s32 $0xFFFF8400  }
0x6e: {  	[hbm4b:s0+s2] =	stream.linear.scatter [tilespmem:s13], [sflag:$0x6], $0x7C00, $0x38;
	[tilespmem:$0x1FC80] =	vst v63  }
0x6f: {  	_ =	swait.ge [sflag:s4], $0x7C00  }
0x70: {  	[sflag:s4] =	ssyncset.done $0x0  }
0x71: {  	[sflag:s4] =	ssyncadd.s32 $0xFFFF8400  }
0x72: {  	[tilespmem:s5], [sflag:$0x1] =	stream.indirect.gather [hbm4b:s3+s17], $0x80, s18, s17, $0xb8;
	[tilespmem:$0x1FC80] =	vst v63  }
0x73: {  	_ =	swait.ge [sflag:s14], $0x7C00  }
0x74: {  	[sflag:s14] =	ssyncset.done $0x0  }
0x75: {  	s0 =	rddreg [dreg:$0xe];
	[sflag:s14] =	ssyncadd.s32 $0xFFFF8400  }
0x76: {  	[hbm4b:s0+s2] =	stream.linear.scatter [tilespmem:s11], [sflag:$0x7], $0x7C00, $0x38;
	[tilespmem:$0x1FC80] =	vst v63  }
0x77: {  	_ =	swait.ge [sflag:s12], $0x7C00  }
0x78: {  	[sflag:s12] =	ssyncset.done $0x0  }
0x79: {  	s0 =	rddreg [dreg:$0xf];
	[sflag:s12] =	ssyncadd.s32 $0xFFFF8400  }
0x7a: {  	[hbm4b:s0+s2] =	stream.linear.scatter [tilespmem:s10], [sflag:$0x8], $0x7C00, $0x38;
	[tilespmem:$0x1FC80] =	vst v63  }
0x7b: {  	_ =	swait.ge [sflag:s6], $0x4C00  }
0x7c: {  	[sflag:s6] =	ssyncset.done $0x0  }
0x7d: {  	s0 =	rddreg [dreg:$0x10];
	[sflag:s6] =	ssyncadd.s32 $0xFFFFB400  }
0x7e: {  	[hbm4b:s0+s2] =	stream.linear.scatter [tilespmem:s5], [sflag:$0x5], $0x4C00, $0x38;
	[tilespmem:$0x1FC80] =	vst v63  }
0x7f: {  	_ =	swait.ge [sflag:s8], $0x7C00  }
0x80: {  	[sflag:s8] =	ssyncset.done $0x0  }
0x81: {  	[sflag:s8] =	ssyncadd.s32 $0xFFFF8400  }
0x82: {  	_ =	swait.ge [sflag:s9], $0x7C00  }
0x83: {  	[sflag:s9] =	ssyncset.done $0x0  }
0x84: {  	p1 =	sne.s32 s1, $0x1;
	[sflag:s9] =	ssyncadd.s32 $0xFFFF8400  }
.Ltmp1:
0x85: {  	_ =	swait.ge [sflag:s7], $0x7C00;
	(pc) =	sbr.rel @!p1 .LBB2_3-.Ltmp1, $4  }
0x86: {  	[sflag:s7] =	ssyncset.done $0x0  }
0x87: {  	[sflag:s7] =	ssyncadd.s32 $0xFFFF8400  }
0x88: {  	s1 =	sadd.s32 $0xFFFFFFFF, s1;
	_ =	swait.ge [sflag:s4], $0x4C00  }
0x89: {  	p0 =	por $0x1, $0x1;
	s0 =	rddreg [dreg:$0x4];
	[sflag:s4] =	ssyncset.done $0x0  }
.LBB2_2:
0x8a: {  	[sflag:s4] =	ssyncadd.s32 $0xFFFFB400  }
0x8b: {  	[tilespmem:s2], [sflag:$0x9] =	stream.linear.gather [hbm4b:s0+s2], $0xC38, $0x38;
	[tilespmem:$0x1FC80] =	vst v63  }
0x8c: {  	_ =	swait.ge [sflag:s30], $0xC38  }
0x8d: {  	[sflag:s30] =	ssyncset.done $0x0  }
0x8e: {  	[sflag:s30] =	ssyncadd.s32 $0xFFFFF3C8  }
0x8f: {  	[tilespmem:s5], [sflag:$0x1] =	stream.indirect.gather [hbm4b:s3+s15], $0x80, s2, s15, $0xb8;
	[tilespmem:$0x1FC80] =	vst v63  }
0x90: {  	_ = 	snop  }
0x91: {  	[tilespmem:s13], [sflag:$0x2] =	stream.indirect.gather [hbm4b:s3+s15], $0x80, s15, s15, $0xb8;
	[tilespmem:$0x1FC80] =	vst v63  }
0x92: {  	_ = 	snop  }
0x93: {  	[tilespmem:s11], [sflag:$0x3] =	stream.indirect.gather [hbm4b:s3+s15], $0x80, s31, s15, $0xb8;
	[tilespmem:$0x1FC80] =	vst v63  }
0x94: {  	_ =	swait.ge [sflag:s6], $0x7C00  }
0x95: {  	[sflag:s6] =	ssyncset.done $0x0  }
0x96: {  	[sflag:s6] =	ssyncadd.s32 $0xFFFF8400  }
0x97: {  	[hbm4b:s22+s2] =	stream.linear.scatter [tilespmem:s5], [sflag:$0x5], $0x7C00, $0x38;
	[tilespmem:$0x1FC80] =	vst v63  }
0x98: {  	_ = 	snop  }
0x99: {  	[tilespmem:s10], [sflag:$0x4] =	stream.indirect.gather [hbm4b:s3+s15], $0x80, s29, s15, $0xb8;
	[tilespmem:$0x1FC80] =	vst v63  }
0x9a: {  	_ =	swait.ge [sflag:s16], $0x7C00  }
0x9b: {  	[sflag:s16] =	ssyncset.done $0x0  }
0x9c: {  	s0 =	rddreg [dreg:$0x5];
	[sflag:s16] =	ssyncadd.s32 $0xFFFF8400  }
0x9d: {  	[hbm4b:s0+s2] =	stream.linear.scatter [tilespmem:s13], [sflag:$0x6], $0x7C00, $0x38;
	[tilespmem:$0x1FC80] =	vst v63  }
0x9e: {  	_ =	swait.ge [sflag:s4], $0x7C00  }
0x9f: {  	[sflag:s4] =	ssyncset.done $0x0  }
0xa0: {  	[sflag:s4] =	ssyncadd.s32 $0xFFFF8400  }
0xa1: {  	[tilespmem:s5], [sflag:$0x1] =	stream.indirect.gather [hbm4b:s3+s15], $0x80, s28, s15, $0xb8;
	[tilespmem:$0x1FC80] =	vst v63  }
0xa2: {  	_ =	swait.ge [sflag:s14], $0x7C00  }
0xa3: {  	[sflag:s14] =	ssyncset.done $0x0  }
0xa4: {  	s0 =	rddreg [dreg:$0x6];
	[sflag:s14] =	ssyncadd.s32 $0xFFFF8400  }
0xa5: {  	[hbm4b:s0+s2] =	stream.linear.scatter [tilespmem:s11], [sflag:$0x7], $0x7C00, $0x38;
	[tilespmem:$0x1FC80] =	vst v63  }
0xa6: {  	_ =	swait.ge [sflag:s8], $0x7C00  }
0xa7: {  	[sflag:s8] =	ssyncset.done $0x0  }
0xa8: {  	[sflag:s8] =	ssyncadd.s32 $0xFFFF8400  }
0xa9: {  	[tilespmem:s13], [sflag:$0x2] =	stream.indirect.gather [hbm4b:s3+s15], $0x80, s26, s15, $0xb8;
	[tilespmem:$0x1FC80] =	vst v63  }
0xaa: {  	_ =	swait.ge [sflag:s12], $0x7C00  }
0xab: {  	[sflag:s12] =	ssyncset.done $0x0  }
0xac: {  	s0 =	rddreg [dreg:$0x7];
	[sflag:s12] =	ssyncadd.s32 $0xFFFF8400  }
0xad: {  	[hbm4b:s0+s2] =	stream.linear.scatter [tilespmem:s10], [sflag:$0x8], $0x7C00, $0x38;
	[tilespmem:$0x1FC80] =	vst v63  }
0xae: {  	_ =	swait.ge [sflag:s9], $0x7C00  }
0xaf: {  	[sflag:s9] =	ssyncset.done $0x0  }
0xb0: {  	[sflag:s9] =	ssyncadd.s32 $0xFFFF8400  }
0xb1: {  	[tilespmem:s11], [sflag:$0x3] =	stream.indirect.gather [hbm4b:s3+s15], $0x80, s25, s15, $0xb8;
	[tilespmem:$0x1FC80] =	vst v63  }
0xb2: {  	_ =	swait.ge [sflag:s6], $0x7C00  }
0xb3: {  	[sflag:s6] =	ssyncset.done $0x0  }
0xb4: {  	s0 =	rddreg [dreg:$0x8];
	[sflag:s6] =	ssyncadd.s32 $0xFFFF8400  }
0xb5: {  	[hbm4b:s0+s2] =	stream.linear.scatter [tilespmem:s5], [sflag:$0x5], $0x7C00, $0x38;
	[tilespmem:$0x1FC80] =	vst v63  }
0xb6: {  	_ =	swait.ge [sflag:s7], $0x7C00  }
0xb7: {  	[sflag:s7] =	ssyncset.done $0x0  }
0xb8: {  	[sflag:s7] =	ssyncadd.s32 $0xFFFF8400  }
0xb9: {  	[tilespmem:s10], [sflag:$0x4] =	stream.indirect.gather [hbm4b:s3+s15], $0x80, s24, s15, $0xb8;
	[tilespmem:$0x1FC80] =	vst v63  }
0xba: {  	_ =	swait.ge [sflag:s16], $0x7C00  }
0xbb: {  	[sflag:s16] =	ssyncset.done $0x0  }
0xbc: {  	s0 =	rddreg [dreg:$0x9];
	[sflag:s16] =	ssyncadd.s32 $0xFFFF8400  }
0xbd: {  	[hbm4b:s0+s2] =	stream.linear.scatter [tilespmem:s13], [sflag:$0x6], $0x7C00, $0x38;
	[tilespmem:$0x1FC80] =	vst v63  }
0xbe: {  	_ =	swait.ge [sflag:s4], $0x7C00  }
0xbf: {  	[sflag:s4] =	ssyncset.done $0x0  }
0xc0: {  	[sflag:s4] =	ssyncadd.s32 $0xFFFF8400  }
0xc1: {  	[tilespmem:s5], [sflag:$0x1] =	stream.indirect.gather [hbm4b:s3+s15], $0x80, s23, s15, $0xb8;
	[tilespmem:$0x1FC80] =	vst v63  }
0xc2: {  	_ =	swait.ge [sflag:s14], $0x7C00  }
0xc3: {  	[sflag:s14] =	ssyncset.done $0x0  }
0xc4: {  	s0 =	rddreg [dreg:$0xa];
	[sflag:s14] =	ssyncadd.s32 $0xFFFF8400  }
0xc5: {  	[hbm4b:s0+s2] =	stream.linear.scatter [tilespmem:s11], [sflag:$0x7], $0x7C00, $0x38;
	[tilespmem:$0x1FC80] =	vst v63  }
0xc6: {  	_ =	swait.ge [sflag:s8], $0x7C00  }
0xc7: {  	[sflag:s8] =	ssyncset.done $0x0  }
0xc8: {  	[sflag:s8] =	ssyncadd.s32 $0xFFFF8400  }
0xc9: {  	[tilespmem:s13], [sflag:$0x2] =	stream.indirect.gather [hbm4b:s3+s15], $0x80, s21, s15, $0xb8;
	[tilespmem:$0x1FC80] =	vst v63  }
0xca: {  	_ =	swait.ge [sflag:s12], $0x7C00  }
0xcb: {  	[sflag:s12] =	ssyncset.done $0x0  }
0xcc: {  	s0 =	rddreg [dreg:$0xb];
	[sflag:s12] =	ssyncadd.s32 $0xFFFF8400  }
0xcd: {  	[hbm4b:s0+s2] =	stream.linear.scatter [tilespmem:s10], [sflag:$0x8], $0x7C00, $0x38;
	[tilespmem:$0x1FC80] =	vst v63  }
0xce: {  	_ =	swait.ge [sflag:s9], $0x7C00  }
0xcf: {  	[sflag:s9] =	ssyncset.done $0x0  }
0xd0: {  	[sflag:s9] =	ssyncadd.s32 $0xFFFF8400  }
0xd1: {  	[tilespmem:s11], [sflag:$0x3] =	stream.indirect.gather [hbm4b:s3+s15], $0x80, s20, s15, $0xb8;
	[tilespmem:$0x1FC80] =	vst v63  }
0xd2: {  	_ =	swait.ge [sflag:s6], $0x7C00  }
0xd3: {  	[sflag:s6] =	ssyncset.done $0x0  }
0xd4: {  	s0 =	rddreg [dreg:$0xc];
	[sflag:s6] =	ssyncadd.s32 $0xFFFF8400  }
0xd5: {  	[hbm4b:s0+s2] =	stream.linear.scatter [tilespmem:s5], [sflag:$0x5], $0x7C00, $0x38;
	[tilespmem:$0x1FC80] =	vst v63  }
0xd6: {  	_ =	swait.ge [sflag:s7], $0x7C00  }
0xd7: {  	[sflag:s7] =	ssyncset.done $0x0  }
0xd8: {  	[sflag:s7] =	ssyncadd.s32 $0xFFFF8400  }
0xd9: {  	[tilespmem:s10], [sflag:$0x4] =	stream.indirect.gather [hbm4b:s3+s15], $0x80, s19, s15, $0xb8;
	[tilespmem:$0x1FC80] =	vst v63  }
0xda: {  	_ =	swait.ge [sflag:s16], $0x7C00  }
0xdb: {  	[sflag:s16] =	ssyncset.done $0x0  }
0xdc: {  	s0 =	rddreg [dreg:$0xd];
	[sflag:s16] =	ssyncadd.s32 $0xFFFF8400  }
0xdd: {  	[hbm4b:s0+s2] =	stream.linear.scatter [tilespmem:s13], [sflag:$0x6], $0x7C00, $0x38;
	[tilespmem:$0x1FC80] =	vst v63  }
0xde: {  	_ =	swait.ge [sflag:s4], $0x7C00  }
0xdf: {  	[sflag:s4] =	ssyncset.done $0x0  }
0xe0: {  	[sflag:s4] =	ssyncadd.s32 $0xFFFF8400  }
0xe1: {  	[tilespmem:s5], [sflag:$0x1] =	stream.indirect.gather [hbm4b:s3+s17], $0x80, s18, s17, $0xb8;
	[tilespmem:$0x1FC80] =	vst v63  }
0xe2: {  	_ =	swait.ge [sflag:s14], $0x7C00  }
0xe3: {  	[sflag:s14] =	ssyncset.done $0x0  }
0xe4: {  	s0 =	rddreg [dreg:$0xe];
	[sflag:s14] =	ssyncadd.s32 $0xFFFF8400  }
0xe5: {  	[hbm4b:s0+s2] =	stream.linear.scatter [tilespmem:s11], [sflag:$0x7], $0x7C00, $0x38;
	[tilespmem:$0x1FC80] =	vst v63  }
0xe6: {  	_ =	swait.ge [sflag:s12], $0x7C00  }
0xe7: {  	[sflag:s12] =	ssyncset.done $0x0  }
0xe8: {  	s0 =	rddreg [dreg:$0xf];
	[sflag:s12] =	ssyncadd.s32 $0xFFFF8400  }
0xe9: {  	[hbm4b:s0+s2] =	stream.linear.scatter [tilespmem:s10], [sflag:$0x8], $0x7C00, $0x38;
	[tilespmem:$0x1FC80] =	vst v63  }
0xea: {  	_ =	swait.ge [sflag:s6], $0x4C00  }
0xeb: {  	[sflag:s6] =	ssyncset.done $0x0  }
0xec: {  	s0 =	rddreg [dreg:$0x10];
	[sflag:s6] =	ssyncadd.s32 $0xFFFFB400  }
0xed: {  	[hbm4b:s0+s2] =	stream.linear.scatter [tilespmem:s5], [sflag:$0x5], $0x4C00, $0x38;
	[tilespmem:$0x1FC80] =	vst v63  }
0xee: {  	_ =	swait.ge [sflag:s8], $0x7C00  }
0xef: {  	[sflag:s8] =	ssyncset.done $0x0  }
0xf0: {  	[sflag:s8] =	ssyncadd.s32 $0xFFFF8400  }
0xf1: {  	_ =	swait.ge [sflag:s9], $0x7C00  }
0xf2: {  	[sflag:s9] =	ssyncset.done $0x0  }
0xf3: {  	p1 =	sne.s32 s1, $0x1;
	[sflag:s9] =	ssyncadd.s32 $0xFFFF8400  }
.Ltmp2:
0xf4: {  	_ =	swait.ge [sflag:s7], $0x7C00;
	(pc) =	sbr.rel @p1 .LBB2_2-.Ltmp2, $4  }
0xf5: {  	[sflag:s7] =	ssyncset.done $0x0  }
0xf6: {  	[sflag:s7] =	ssyncadd.s32 $0xFFFF8400  }
0xf7: {  	_ =	swait.ge [sflag:s4], $0x4C00  }
0xf8: {  	s1 =	sadd.s32 $0xFFFFFFFF, s1;
	s0 =	rddreg [dreg:$0x4];
	[sflag:s4] =	ssyncset.done $0x0  }
.LBB2_3:
0xf9: {  	[sflag:s4] =	ssyncadd.s32 @p0 $0xFFFFB400  }
0xfa: {  	[tilespmem:s2], [sflag:$0x9] =	stream.linear.gather [hbm4b:s0+s2], $0xC38, $0x38;
	[tilespmem:$0x1FC80] =	vst v63  }
0xfb: {  	_ =	swait.ge [sflag:s30], $0xC38  }
0xfc: {  	[sflag:s30] =	ssyncset.done $0x0  }
0xfd: {  	[sflag:s30] =	ssyncadd.s32 $0xFFFFF3C8  }
0xfe: {  	[tilespmem:s5], [sflag:$0x1] =	stream.indirect.gather [hbm4b:s3+s15], $0x80, s2, s15, $0xb8;
	[tilespmem:$0x1FC80] =	vst v63  }
0xff: {  	_ = 	snop  }
0x100: {  	[tilespmem:s13], [sflag:$0x2] =	stream.indirect.gather [hbm4b:s3+s15], $0x80, s15, s15, $0xb8;
	[tilespmem:$0x1FC80] =	vst v63  }
0x101: {  	_ = 	snop  }
0x102: {  	[tilespmem:s11], [sflag:$0x3] =	stream.indirect.gather [hbm4b:s3+s15], $0x80, s31, s15, $0xb8;
	[tilespmem:$0x1FC80] =	vst v63  }
0x103: {  	_ =	swait.ge [sflag:s6], $0x7C00  }
0x104: {  	[sflag:s6] =	ssyncset.done $0x0  }
0x105: {  	[sflag:s6] =	ssyncadd.s32 $0xFFFF8400  }
0x106: {  	[hbm4b:s22+s2] =	stream.linear.scatter [tilespmem:s5], [sflag:$0x5], $0x7C00, $0x38;
	[tilespmem:$0x1FC80] =	vst v63  }
0x107: {  	_ = 	snop  }
0x108: {  	[tilespmem:s10], [sflag:$0x4] =	stream.indirect.gather [hbm4b:s3+s15], $0x80, s29, s15, $0xb8;
	[tilespmem:$0x1FC80] =	vst v63  }
0x109: {  	_ =	swait.ge [sflag:s16], $0x7C00  }
0x10a: {  	[sflag:s16] =	ssyncset.done $0x0  }
0x10b: {  	s29 =	rddreg [dreg:$0x5];
	[sflag:s16] =	ssyncadd.s32 $0xFFFF8400  }
0x10c: {  	[hbm4b:s29+s2] =	stream.linear.scatter [tilespmem:s13], [sflag:$0x6], $0x7C00, $0x38;
	[tilespmem:$0x1FC80] =	vst v63  }
0x10d: {  	_ =	swait.ge [sflag:s4], $0x7C00  }
0x10e: {  	[sflag:s4] =	ssyncset.done $0x0  }
0x10f: {  	[sflag:s4] =	ssyncadd.s32 $0xFFFF8400  }
0x110: {  	[tilespmem:s5], [sflag:$0x1] =	stream.indirect.gather [hbm4b:s3+s15], $0x80, s28, s15, $0xb8;
	[tilespmem:$0x1FC80] =	vst v63  }
0x111: {  	_ =	swait.ge [sflag:s14], $0x7C00  }
0x112: {  	[sflag:s14] =	ssyncset.done $0x0  }
0x113: {  	s30 =	rddreg [dreg:$0x6];
	[sflag:s14] =	ssyncadd.s32 $0xFFFF8400  }
0x114: {  	[hbm4b:s30+s2] =	stream.linear.scatter [tilespmem:s11], [sflag:$0x7], $0x7C00, $0x38;
	[tilespmem:$0x1FC80] =	vst v63  }
0x115: {  	_ =	swait.ge [sflag:s8], $0x7C00  }
0x116: {  	[sflag:s8] =	ssyncset.done $0x0  }
0x117: {  	[sflag:s8] =	ssyncadd.s32 $0xFFFF8400  }
0x118: {  	[tilespmem:s13], [sflag:$0x2] =	stream.indirect.gather [hbm4b:s3+s15], $0x80, s26, s15, $0xb8;
	[tilespmem:$0x1FC80] =	vst v63  }
0x119: {  	_ =	swait.ge [sflag:s12], $0x7C00  }
0x11a: {  	[sflag:s12] =	ssyncset.done $0x0  }
0x11b: {  	s31 =	rddreg [dreg:$0x7];
	[sflag:s12] =	ssyncadd.s32 $0xFFFF8400  }
0x11c: {  	[hbm4b:s31+s2] =	stream.linear.scatter [tilespmem:s10], [sflag:$0x8], $0x7C00, $0x38;
	[tilespmem:$0x1FC80] =	vst v63  }
0x11d: {  	_ =	swait.ge [sflag:s9], $0x7C00  }
0x11e: {  	[sflag:s9] =	ssyncset.done $0x0  }
0x11f: {  	[sflag:s9] =	ssyncadd.s32 $0xFFFF8400  }
0x120: {  	[tilespmem:s11], [sflag:$0x3] =	stream.indirect.gather [hbm4b:s3+s15], $0x80, s25, s15, $0xb8;
	[tilespmem:$0x1FC80] =	vst v63  }
0x121: {  	_ =	swait.ge [sflag:s6], $0x7C00  }
0x122: {  	[sflag:s6] =	ssyncset.done $0x0  }
0x123: {  	s1 =	rddreg [dreg:$0x8];
	[sflag:s6] =	ssyncadd.s32 $0xFFFF8400  }
0x124: {  	[hbm4b:s1+s2] =	stream.linear.scatter [tilespmem:s5], [sflag:$0x5], $0x7C00, $0x38;
	[tilespmem:$0x1FC80] =	vst v63  }
0x125: {  	_ =	swait.ge [sflag:s7], $0x7C00  }
0x126: {  	[sflag:s7] =	ssyncset.done $0x0  }
0x127: {  	[sflag:s7] =	ssyncadd.s32 $0xFFFF8400  }
0x128: {  	[tilespmem:s10], [sflag:$0x4] =	stream.indirect.gather [hbm4b:s3+s15], $0x80, s24, s15, $0xb8;
	[tilespmem:$0x1FC80] =	vst v63  }
0x129: {  	_ =	swait.ge [sflag:s16], $0x7C00  }
0x12a: {  	[sflag:s16] =	ssyncset.done $0x0  }
0x12b: {  	s22 =	rddreg [dreg:$0x9];
	[sflag:s16] =	ssyncadd.s32 $0xFFFF8400  }
0x12c: {  	[hbm4b:s22+s2] =	stream.linear.scatter [tilespmem:s13], [sflag:$0x6], $0x7C00, $0x38;
	[tilespmem:$0x1FC80] =	vst v63  }
0x12d: {  	_ =	swait.ge [sflag:s4], $0x7C00  }
0x12e: {  	[sflag:s4] =	ssyncset.done $0x0  }
0x12f: {  	[sflag:s4] =	ssyncadd.s32 $0xFFFF8400  }
0x130: {  	[tilespmem:s5], [sflag:$0x1] =	stream.indirect.gather [hbm4b:s3+s15], $0x80, s23, s15, $0xb8;
	[tilespmem:$0x1FC80] =	vst v63  }
0x131: {  	_ =	swait.ge [sflag:s14], $0x7C00  }
0x132: {  	[sflag:s14] =	ssyncset.done $0x0  }
0x133: {  	s23 =	rddreg [dreg:$0xa];
	[sflag:s14] =	ssyncadd.s32 $0xFFFF8400  }
0x134: {  	[hbm4b:s23+s2] =	stream.linear.scatter [tilespmem:s11], [sflag:$0x7], $0x7C00, $0x38;
	[tilespmem:$0x1FC80] =	vst v63  }
0x135: {  	_ =	swait.ge [sflag:s8], $0x7C00  }
0x136: {  	[sflag:s8] =	ssyncset.done $0x0  }
0x137: {  	[sflag:s8] =	ssyncadd.s32 $0xFFFF8400  }
0x138: {  	[tilespmem:s13], [sflag:$0x2] =	stream.indirect.gather [hbm4b:s3+s15], $0x80, s21, s15, $0xb8;
	[tilespmem:$0x1FC80] =	vst v63  }
0x139: {  	_ =	swait.ge [sflag:s12], $0x7C00  }
0x13a: {  	[sflag:s12] =	ssyncset.done $0x0  }
0x13b: {  	s24 =	rddreg [dreg:$0xb];
	[sflag:s12] =	ssyncadd.s32 $0xFFFF8400  }
0x13c: {  	[hbm4b:s24+s2] =	stream.linear.scatter [tilespmem:s10], [sflag:$0x8], $0x7C00, $0x38;
	[tilespmem:$0x1FC80] =	vst v63  }
0x13d: {  	_ =	swait.ge [sflag:s9], $0x7C00  }
0x13e: {  	[sflag:s9] =	ssyncset.done $0x0  }
0x13f: {  	[sflag:s9] =	ssyncadd.s32 $0xFFFF8400  }
0x140: {  	[tilespmem:s11], [sflag:$0x3] =	stream.indirect.gather [hbm4b:s3+s15], $0x80, s20, s15, $0xb8;
	[tilespmem:$0x1FC80] =	vst v63  }
0x141: {  	_ =	swait.ge [sflag:s6], $0x7C00  }
0x142: {  	[sflag:s6] =	ssyncset.done $0x0  }
0x143: {  	s25 =	rddreg [dreg:$0xc];
	[sflag:s6] =	ssyncadd.s32 $0xFFFF8400  }
0x144: {  	[hbm4b:s25+s2] =	stream.linear.scatter [tilespmem:s5], [sflag:$0x5], $0x7C00, $0x38;
	[tilespmem:$0x1FC80] =	vst v63  }
0x145: {  	_ =	swait.ge [sflag:s7], $0x7C00  }
0x146: {  	[sflag:s7] =	ssyncset.done $0x0  }
0x147: {  	[sflag:s7] =	ssyncadd.s32 $0xFFFF8400  }
0x148: {  	[tilespmem:s10], [sflag:$0x4] =	stream.indirect.gather [hbm4b:s3+s15], $0x80, s19, s15, $0xb8;
	[tilespmem:$0x1FC80] =	vst v63  }
0x149: {  	_ =	swait.ge [sflag:s16], $0x7C00  }
0x14a: {  	[sflag:s16] =	ssyncset.done $0x0  }
0x14b: {  	s26 =	rddreg [dreg:$0xd];
	[sflag:s16] =	ssyncadd.s32 $0xFFFF8400  }
0x14c: {  	[hbm4b:s26+s2] =	stream.linear.scatter [tilespmem:s13], [sflag:$0x6], $0x7C00, $0x38;
	[tilespmem:$0x1FC80] =	vst v63  }
0x14d: {  	_ =	swait.ge [sflag:s4], $0x7C00  }
0x14e: {  	[sflag:s4] =	ssyncset.done $0x0  }
0x14f: {  	[sflag:s4] =	ssyncadd.s32 $0xFFFF8400  }
0x150: {  	[tilespmem:s5], [sflag:$0x1] =	stream.indirect.gather [hbm4b:s3+s17], $0x80, s18, s17, $0xb8;
	[tilespmem:$0x1FC80] =	vst v63  }
0x151: {  	_ =	swait.ge [sflag:s14], $0x7C00  }
0x152: {  	[sflag:s14] =	ssyncset.done $0x0  }
0x153: {  	s28 =	rddreg [dreg:$0xe];
	[sflag:s14] =	ssyncadd.s32 $0xFFFF8400  }
0x154: {  	[hbm4b:s28+s2] =	stream.linear.scatter [tilespmem:s11], [sflag:$0x7], $0x7C00, $0x38;
	[tilespmem:$0x1FC80] =	vst v63  }
0x155: {  	_ =	swait.ge [sflag:s12], $0x7C00  }
0x156: {  	[sflag:s12] =	ssyncset.done $0x0  }
0x157: {  	s29 =	rddreg [dreg:$0xf];
	[sflag:s12] =	ssyncadd.s32 $0xFFFF8400  }
0x158: {  	[hbm4b:s29+s2] =	stream.linear.scatter [tilespmem:s10], [sflag:$0x8], $0x7C00, $0x38;
	[tilespmem:$0x1FC80] =	vst v63  }
0x159: {  	_ =	swait.ge [sflag:s6], $0x4C00  }
0x15a: {  	[sflag:s6] =	ssyncset.done $0x0  }
0x15b: {  	s30 =	rddreg [dreg:$0x10];
	[sflag:s6] =	ssyncadd.s32 $0xFFFFB400  }
0x15c: {  	[hbm4b:s30+s2] =	stream.linear.scatter [tilespmem:s5], [sflag:$0x5], $0x4C00, $0x38;
	[tilespmem:$0x1FC80] =	vst v63  }
0x15d: {  	_ =	swait.ge [sflag:s8], $0x7C00  }
0x15e: {  	[sflag:s8] =	ssyncset.done $0x0  }
0x15f: {  	[sflag:s8] =	ssyncadd.s32 $0xFFFF8400  }
0x160: {  	_ =	swait.ge [sflag:s9], $0x7C00  }
0x161: {  	[sflag:s9] =	ssyncset.done $0x0  }
0x162: {  	[sflag:s9] =	ssyncadd.s32 $0xFFFF8400  }
0x163: {  	_ =	swait.ge [sflag:s7], $0x7C00  }
0x164: {  	[sflag:s7] =	ssyncset.done $0x0  }
0x165: {  	[sflag:s7] =	ssyncadd.s32 $0xFFFF8400  }
0x166: {  	_ =	swait.ge [sflag:s4], $0x4C00  }
0x167: {  	[sflag:s4] =	ssyncset.done $0x0  }
0x168: {  	[sflag:s4] =	ssyncadd.s32 $0xFFFFB400  }
0x169: {  	_ =	sfence.sel $0x180000  }
0x16a: {  	[bflag:$0x0] =	sbarrier.arrive $0xFFFF  }
0x16b: {  	_ =	strace $0x90000047  }
0x16c: {  	s31 =	stileid.u32;
	[bflag:$0x2] =	sbarrier.arrive $0xFFFF  }
0x16d: {  	p0 =	sne.s32 s31, $0x0;
	s0 =	rddreg [dreg:$0x3]  }
0x16e: {  	s0 =	sadd.s32 @!p0 $0x100000, s0  }
0x16f: {  	[sflag:s0] =	ssyncadd.tile.s32 @!p0 $0x1;
	_ =	shalt  }
.Lfunc_end2:
_tile_overlayer_lowered:
.L_overlay_start_2:
0x170: {  	(tag) =	ssettag $0x2  }
0x171: {  	s0 =	rddreg [dreg:$0x0];
	s2 =	stileid.u32  }
0x172: {  	s1 =	rddreg [dreg:$0x1];
	p0 =	sne.s32 s2, $0x0  }
0x173: {  	s3 =	rddreg [dreg:$0x2];
	[bflag:$0x3] =	sbarrier.arrive $0xFFFF;
	s2 =	simm.s32 @!p0 $0x1C09  }
0x174: {  	[timem:s3], [sflag:s2] =	dma.local @!p0 [hbm:s0], s1  }
0x175: {  	s0 =	simm.s32 @!p0 $0x9  }
0x176: {  	_ =	swait.ge @!p0 [sflag:s0], s1  }
0x177: {  	s1 =	ssub.s32 @!p0 $0x0, s1;
	[sflag:s0] =	ssyncset.done @!p0 $0x0  }
0x178: {  	[sflag:s0] =	ssyncadd.s32 @!p0 s1  }
0x179: {  	[bflag:$0x3] =	sbarrier.arrive $0xFFFF  }
0x17a: {  	_ =	shalt  }

</sc_bundles>
